<compile_context>
chip_gen: v7x
topology: tpu7x:2x2x1
jax: 0.10.2.dev20260603
libtpu: 0.0.44.dev20260713+nightly
codegen_flags: <defaults>
</compile_context>

<pallas_src>
import functools

import jax
import jax.numpy as jnp
from jax import lax
from jax.experimental import pallas as pl
from jax.experimental.pallas import tpu as pltpu
from jax.experimental.pallas import tpu_sc as plsc

N_NODES = 10000
N_EDGES = 320000
F = 128
L = 16

NC = 2
NS = 16
NW = NC * NS

CH = 128
EPT = 10240
NCHUNK = EPT // CH
E_PAD = EPT * NW
NCK0 = 140
NCK1 = 2 * NCHUNK - NCK0
NCK_MAX = 160
SHIFT = 14
MASK = (1 << SHIFT) - 1
ACC_ROWS = 10240
ROWS_PER_TILE = ACC_ROWS // NS
DUMMY_DST = N_NODES


def _matmul_body(x_ref, w_ref, o_ref):
    o_ref[...] = jnp.dot(x_ref[...], w_ref[...],
                         preferred_element_type=jnp.float32)


def _combine_body(p0_ref, p1_ref, b_ref, o_ref):
    o_ref[...] = p0_ref[...] + p1_ref[...] + b_ref[...]


def _sc_scatter_kernel(support_hbm, packed_hbm, out_hbm,
                       packed_v, sring_v, dring_v, rows_v, acc_sh, sem):
    c = lax.axis_index("c")
    s = lax.axis_index("s")

    zero16 = jnp.zeros((L,), jnp.float32)

    def _zero_row(i, carry):
        for l in range(F // L):
            rows_v[i, pl.ds(l * L, L)] = zero16
        return carry

    lax.fori_loop(0, CH, _zero_row, 0)
    base = s * ROWS_PER_TILE
    for k in range(ROWS_PER_TILE // CH):
        pltpu.sync_copy(rows_v, acc_sh.at[pl.ds(base + k * CH, CH)])
    plsc.subcore_barrier()

    wid = c * NS + s
    pltpu.sync_copy(packed_hbm.at[wid], packed_v)

    def _chunk(j, carry):
        for l in range(F // L):
            v = packed_v[j, pl.ds(l * L, L)]
            sring_v[0, pl.ds(l * L, L)] = v & MASK
            dring_v[0, pl.ds(l * L, L)] = lax.shift_right_logical(v, SHIFT)
        pltpu.async_copy(support_hbm.at[sring_v.at[0]], rows_v, sem).wait()
        pltpu.sync_copy(rows_v, acc_sh.at[dring_v.at[0]], add=True)
        return carry

    lax.fori_loop(0, jnp.where(c == 0, NCK0, NCK1), _chunk, 0)

    plsc.subcore_barrier()
    pltpu.sync_copy(acc_sh.at[pl.ds(base, ROWS_PER_TILE)],
                    out_hbm.at[c, pl.ds(base, ROWS_PER_TILE)])


_sc_scatter = functools.partial(
    pl.kernel,
    out_type=jax.ShapeDtypeStruct((NC, ACC_ROWS, F), jnp.float32),
    mesh=plsc.VectorSubcoreMesh(core_axis_name="c", subcore_axis_name="s"),
    scratch_types=[
        pltpu.VMEM((NCK_MAX, CH), jnp.int32),
        pltpu.VMEM((2, CH), jnp.int32),
        pltpu.VMEM((2, CH), jnp.int32),
        pltpu.VMEM((CH, F), jnp.float32),
        pltpu.VMEM_SHARED((ACC_ROWS, F), jnp.float32),
        pltpu.SemaphoreType.DMA,
    ],
)(_sc_scatter_kernel)


def kernel(h_v, edge_index, weight, bias):
    rows_blk = 1000
    support = pl.pallas_call(
        _matmul_body,
        grid=(N_NODES // rows_blk,),
        in_specs=[
            pl.BlockSpec((rows_blk, F), lambda i: (i, 0)),
            pl.BlockSpec((F, F), lambda i: (0, 0)),
        ],
        out_specs=pl.BlockSpec((rows_blk, F), lambda i: (i, 0)),
        out_shape=jax.ShapeDtypeStruct((N_NODES, F), jnp.float32),
    )(h_v, weight)

    ei = edge_index.astype(jnp.int32)
    flat = (jnp.pad(ei[0], (0, E_PAD - N_EDGES))
            | (jnp.pad(ei[1], (0, E_PAD - N_EDGES),
                       constant_values=DUMMY_DST) << SHIFT))

    fill = DUMMY_DST << SHIFT
    cut = NS * NCK0 * CH
    p0 = flat[:cut].reshape(NS, NCK0, CH)
    p1 = flat[cut:].reshape(NS, NCK1, CH)
    p0 = jnp.pad(p0, ((0, 0), (0, NCK_MAX - NCK0), (0, 0)),
                 constant_values=fill)
    p1 = jnp.pad(p1, ((0, 0), (0, NCK_MAX - NCK1), (0, 0)),
                 constant_values=fill)
    packed = jnp.concatenate([p0, p1], axis=0)

    partials = _sc_scatter(support, packed)

    out = pl.pallas_call(
        _combine_body,
        grid=(N_NODES // rows_blk,),
        in_specs=[
            pl.BlockSpec((rows_blk, F), lambda i: (i, 0)),
            pl.BlockSpec((rows_blk, F), lambda i: (i, 0)),
            pl.BlockSpec((1, F), lambda i: (0, 0)),
        ],
        out_specs=pl.BlockSpec((rows_blk, F), lambda i: (i, 0)),
        out_shape=jax.ShapeDtypeStruct((N_NODES, F), jnp.float32),
    )(partials[0, :N_NODES], partials[1, :N_NODES], bias.reshape(1, F))
    return out

# --- scband reference (transcript-rebuilt; emitter-appended) ---
"""Pipeline reference for scband-graph-convolution-47940424958090 (READ-ONLY COPY).

The authoritative reference and input builder live on the scoring server;
editing this copy changes nothing except your own understanding.
"""

import jax, jax.numpy as jnp
import numpy as np

N_NODES = 10000
N_EDGES = 320000
IN_FEATURES = 128
OUT_FEATURES = 128


def setup_inputs(seed: int = 0) -> dict:
    key = jax.random.key(seed)
    k1, k2, k3, k4 = jax.random.split(key, 4)
    h_v = jax.random.normal(k1, (N_NODES, IN_FEATURES), dtype=jnp.float32)
    edge_index = jax.random.randint(k2, (2, N_EDGES), 0, N_NODES, dtype=jnp.int64)
    # Parameters mirror torch: Parameter(torch.rand(...)) -> uniform [0, 1)
    weight = jax.random.uniform(k3, (IN_FEATURES, OUT_FEATURES), dtype=jnp.float32)
    bias = jax.random.uniform(k4, (OUT_FEATURES,), dtype=jnp.float32)
    return {"h_v": h_v, "edge_index": edge_index, "weight": weight, "bias": bias}


def reference(h_v, edge_index, weight, bias):
    # support = h_v @ W
    support = jnp.dot(h_v, weight)
    # output = spmm(adj, support): adjacency given as COO edge list with unit values.
    # adj[dst, src] = 1 -> out[dst] = sum over incoming edges of support[src]
    src = edge_index[0]
    dst = edge_index[1]
    gathered = jnp.take(support, src, axis=0)
    output = jax.ops.segment_sum(gathered, dst, num_segments=h_v.shape[0])
    return output + bias

if __name__ == "__main__":
    import jax
    _d = setup_inputs()
    print(jax.jit(kernel)(*tuple(_d.values())))

</pallas_src>

<mosaic_0001>
#map = affine_map<(d0, d1) -> (0, 0)>
#map1 = affine_map<(d0, d1) -> (0, 0, 0)>
module attributes {stable_mosaic.version = 14 : i64} {
  func.func @_sc_scatter_kernel(%arg0: i32, %arg1: i32, %arg2: memref<10000x128xf32, #tpu.memory_space<hbm>>, %arg3: memref<32x160x128xi32, #tpu.memory_space<hbm>>, %arg4: memref<2x10240x128xf32, #tpu.memory_space<hbm>>, %arg5: memref<160x128xi32, #tpu.memory_space<vmem>>, %arg6: memref<2x128xi32, #tpu.memory_space<vmem>>, %arg7: memref<2x128xi32, #tpu.memory_space<vmem>>, %arg8: memref<128x128xf32, #tpu.memory_space<vmem>>, %arg9: memref<10240x128xf32, #tpu.memory_space<vmem_shared>>, %arg10: memref<!tpu.dma_semaphore, #tpu.memory_space<semaphore_mem>>) attributes {dimension_semantics = [#tpu.dimension_semantics<core_parallel>, #tpu.dimension_semantics<subcore_parallel>], iteration_bounds = array<i64: 2, 16>, scalar_prefetch = 0 : i64, scratch_operands = 6 : i64, tpu.core_type = #tpu.core_type<sc_vector_subcore>, window_params = [{transform_indices = #map}, {transform_indices = #map1}, {transform_indices = #map1}]} {
    %broadcast_in_dim3A = arith.constant 0.000000e+00 : f32
    %broadcast_in_dim3A_0 = vector.broadcast %broadcast_in_dim3A : f32 to vector<16xf32>
    %scan3A = arith.constant 0 : i32
    %scan3A_1 = arith.constant 0 : i32
    %scan3A_2 = arith.constant 128 : i32
    %scan3A_3 = arith.addi %scan3A_1, %scan3A_2 : i32
    %scan3A_4 = arith.constant 1 : i32
    scf.for %scan3A_31 = %scan3A_1 to %scan3A_3 step %scan3A_4  : i32 {
      %swap3A = arith.index_cast %scan3A_31 : i32 to index
      %swap3A_32 = arith.constant 0 : index
      %swap3A_33 = tpu.vector_load %arg8[%swap3A, %swap3A_32] {strides = array<i32>} : memref<128x128xf32, #tpu.memory_space<vmem>>, vector<1x16xf32>,
      %swap3A_34 = vector.shape_cast %swap3A_33 : vector<1x16xf32> to vector<16xf32>
      %swap3A_35 = vector.shape_cast %broadcast_in_dim3A_0 : vector<16xf32> to vector<1x16xf32>
      tpu.vector_store %arg8[%swap3A, %swap3A_32], %swap3A_35 {strides = array<i32>} : memref<128x128xf32, #tpu.memory_space<vmem>>, vector<1x16xf32>,
      %swap3A_36 = arith.index_cast %scan3A_31 : i32 to index
      %swap3A_37 = arith.constant 16 : index
      %swap3A_38 = tpu.vector_load %arg8[%swap3A_36, %swap3A_37] {strides = array<i32>} : memref<128x128xf32, #tpu.memory_space<vmem>>, vector<1x16xf32>,
      %swap3A_39 = vector.shape_cast %swap3A_38 : vector<1x16xf32> to vector<16xf32>
      %swap3A_40 = vector.shape_cast %broadcast_in_dim3A_0 : vector<16xf32> to vector<1x16xf32>
      tpu.vector_store %arg8[%swap3A_36, %swap3A_37], %swap3A_40 {strides = array<i32>} : memref<128x128xf32, #tpu.memory_space<vmem>>, vector<1x16xf32>,
      %swap3A_41 = arith.index_cast %scan3A_31 : i32 to index
      %swap3A_42 = arith.constant 32 : index
      %swap3A_43 = tpu.vector_load %arg8[%swap3A_41, %swap3A_42] {strides = array<i32>} : memref<128x128xf32, #tpu.memory_space<vmem>>, vector<1x16xf32>,
      %swap3A_44 = vector.shape_cast %swap3A_43 : vector<1x16xf32> to vector<16xf32>
      %swap3A_45 = vector.shape_cast %broadcast_in_dim3A_0 : vector<16xf32> to vector<1x16xf32>
      tpu.vector_store %arg8[%swap3A_41, %swap3A_42], %swap3A_45 {strides = array<i32>} : memref<128x128xf32, #tpu.memory_space<vmem>>, vector<1x16xf32>,
      %swap3A_46 = arith.index_cast %scan3A_31 : i32 to index
      %swap3A_47 = arith.constant 48 : index
      %swap3A_48 = tpu.vector_load %arg8[%swap3A_46, %swap3A_47] {strides = array<i32>} : memref<128x128xf32, #tpu.memory_space<vmem>>, vector<1x16xf32>,
      %swap3A_49 = vector.shape_cast %swap3A_48 : vector<1x16xf32> to vector<16xf32>
      %swap3A_50 = vector.shape_cast %broadcast_in_dim3A_0 : vector<16xf32> to vector<1x16xf32>
      tpu.vector_store %arg8[%swap3A_46, %swap3A_47], %swap3A_50 {strides = array<i32>} : memref<128x128xf32, #tpu.memory_space<vmem>>, vector<1x16xf32>,
      %swap3A_51 = arith.index_cast %scan3A_31 : i32 to index
      %swap3A_52 = arith.constant 64 : index
      %swap3A_53 = tpu.vector_load %arg8[%swap3A_51, %swap3A_52] {strides = array<i32>} : memref<128x128xf32, #tpu.memory_space<vmem>>, vector<1x16xf32>,
      %swap3A_54 = vector.shape_cast %swap3A_53 : vector<1x16xf32> to vector<16xf32>
      %swap3A_55 = vector.shape_cast %broadcast_in_dim3A_0 : vector<16xf32> to vector<1x16xf32>
      tpu.vector_store %arg8[%swap3A_51, %swap3A_52], %swap3A_55 {strides = array<i32>} : memref<128x128xf32, #tpu.memory_space<vmem>>, vector<1x16xf32>,
      %swap3A_56 = arith.index_cast %scan3A_31 : i32 to index
      %swap3A_57 = arith.constant 80 : index
      %swap3A_58 = tpu.vector_load %arg8[%swap3A_56, %swap3A_57] {strides = array<i32>} : memref<128x128xf32, #tpu.memory_space<vmem>>, vector<1x16xf32>,
      %swap3A_59 = vector.shape_cast %swap3A_58 : vector<1x16xf32> to vector<16xf32>
      %swap3A_60 = vector.shape_cast %broadcast_in_dim3A_0 : vector<16xf32> to vector<1x16xf32>
      tpu.vector_store %arg8[%swap3A_56, %swap3A_57], %swap3A_60 {strides = array<i32>} : memref<128x128xf32, #tpu.memory_space<vmem>>, vector<1x16xf32>,
      %swap3A_61 = arith.index_cast %scan3A_31 : i32 to index
      %swap3A_62 = arith.constant 96 : index
      %swap3A_63 = tpu.vector_load %arg8[%swap3A_61, %swap3A_62] {strides = array<i32>} : memref<128x128xf32, #tpu.memory_space<vmem>>, vector<1x16xf32>,
      %swap3A_64 = vector.shape_cast %swap3A_63 : vector<1x16xf32> to vector<16xf32>
      %swap3A_65 = vector.shape_cast %broadcast_in_dim3A_0 : vector<16xf32> to vector<1x16xf32>
      tpu.vector_store %arg8[%swap3A_61, %swap3A_62], %swap3A_65 {strides = array<i32>} : memref<128x128xf32, #tpu.memory_space<vmem>>, vector<1x16xf32>,
      %swap3A_66 = arith.index_cast %scan3A_31 : i32 to index
      %swap3A_67 = arith.constant 112 : index
      %swap3A_68 = tpu.vector_load %arg8[%swap3A_66, %swap3A_67] {strides = array<i32>} : memref<128x128xf32, #tpu.memory_space<vmem>>, vector<1x16xf32>,
      %swap3A_69 = vector.shape_cast %swap3A_68 : vector<1x16xf32> to vector<16xf32>
      %swap3A_70 = vector.shape_cast %broadcast_in_dim3A_0 : vector<16xf32> to vector<1x16xf32>
      tpu.vector_store %arg8[%swap3A_66, %swap3A_67], %swap3A_70 {strides = array<i32>} : memref<128x128xf32, #tpu.memory_space<vmem>>, vector<1x16xf32>,
    }
    %scan3A_5 = arith.constant 128 : i32
    %mul3A = arith.constant 640 : i32
    %mul3A_6 = arith.muli %arg1, %mul3A : i32
    %add3A = arith.constant 0 : i32
    %add3A_7 = arith.addi %mul3A_6, %add3A : i32
    "tpu.region"() ({
      %run_scoped3A = tpu.sem_alloc : memref<!tpu.dma_semaphore, #tpu.memory_space<semaphore_mem>>
      %dma_start3A = arith.constant 0 : i32
      %dma_start3A_31 = tpu.memref_slice %arg9[%add3A_7, %dma_start3A] : memref<10240x128xf32, #tpu.memory_space<vmem_shared>> -> memref<128x128xf32, #tpu.memory_space<vmem_shared>>
      %dma_start3A_32 = arith.constant 0 : i32
      %dma_start3A_33 = tpu.memref_slice %arg9[%add3A_7, %dma_start3A_32] : memref<10240x128xf32, #tpu.memory_space<vmem_shared>> -> memref<128x128xf32, #tpu.memory_space<vmem_shared>>
      tpu.enqueue_dma source(%arg8 : memref<128x128xf32, #tpu.memory_space<vmem>>) target(%dma_start3A_33 : memref<128x128xf32, #tpu.memory_space<vmem_shared>>) target_semaphore(%run_scoped3A : memref<!tpu.dma_semaphore, #tpu.memory_space<semaphore_mem>>)
      %dma_wait3A = arith.constant 0 : i32
      %dma_wait3A_34 = tpu.memref_slice %arg9[%add3A_7, %dma_wait3A] : memref<10240x128xf32, #tpu.memory_space<vmem_shared>> -> memref<128x128xf32, #tpu.memory_space<vmem_shared>>
      %dma_wait3A_35 = arith.constant 0 : i32
      %dma_wait3A_36 = tpu.memref_slice %arg9[%add3A_7, %dma_wait3A_35] : memref<10240x128xf32, #tpu.memory_space<vmem_shared>> -> memref<128x128xf32, #tpu.memory_space<vmem_shared>>
      tpu.wait_dma2 semaphore(%run_scoped3A : memref<!tpu.dma_semaphore, #tpu.memory_space<semaphore_mem>>) src(%arg8 : memref<128x128xf32, #tpu.memory_space<vmem>>) dst(%dma_wait3A_36 : memref<128x128xf32, #tpu.memory_space<vmem_shared>>)
      tpu.yield
    }) : () -> ()
    %add3A_8 = arith.constant 128 : i32
    %add3A_9 = arith.addi %mul3A_6, %add3A_8 : i32
    "tpu.region"() ({
      %run_scoped3A = tpu.sem_alloc : memref<!tpu.dma_semaphore, #tpu.memory_space<semaphore_mem>>
      %dma_start3A = arith.constant 0 : i32
      %dma_start3A_31 = tpu.memref_slice %arg9[%add3A_9, %dma_start3A] : memref<10240x128xf32, #tpu.memory_space<vmem_shared>> -> memref<128x128xf32, #tpu.memory_space<vmem_shared>>
      %dma_start3A_32 = arith.constant 0 : i32
      %dma_start3A_33 = tpu.memref_slice %arg9[%add3A_9, %dma_start3A_32] : memref<10240x128xf32, #tpu.memory_space<vmem_shared>> -> memref<128x128xf32, #tpu.memory_space<vmem_shared>>
      tpu.enqueue_dma source(%arg8 : memref<128x128xf32, #tpu.memory_space<vmem>>) target(%dma_start3A_33 : memref<128x128xf32, #tpu.memory_space<vmem_shared>>) target_semaphore(%run_scoped3A : memref<!tpu.dma_semaphore, #tpu.memory_space<semaphore_mem>>)
      %dma_wait3A = arith.constant 0 : i32
      %dma_wait3A_34 = tpu.memref_slice %arg9[%add3A_9, %dma_wait3A] : memref<10240x128xf32, #tpu.memory_space<vmem_shared>> -> memref<128x128xf32, #tpu.memory_space<vmem_shared>>
      %dma_wait3A_35 = arith.constant 0 : i32
      %dma_wait3A_36 = tpu.memref_slice %arg9[%add3A_9, %dma_wait3A_35] : memref<10240x128xf32, #tpu.memory_space<vmem_shared>> -> memref<128x128xf32, #tpu.memory_space<vmem_shared>>
      tpu.wait_dma2 semaphore(%run_scoped3A : memref<!tpu.dma_semaphore, #tpu.memory_space<semaphore_mem>>) src(%arg8 : memref<128x128xf32, #tpu.memory_space<vmem>>) dst(%dma_wait3A_36 : memref<128x128xf32, #tpu.memory_space<vmem_shared>>)
      tpu.yield
    }) : () -> ()
    %add3A_10 = arith.constant 256 : i32
    %add3A_11 = arith.addi %mul3A_6, %add3A_10 : i32
    "tpu.region"() ({
      %run_scoped3A = tpu.sem_alloc : memref<!tpu.dma_semaphore, #tpu.memory_space<semaphore_mem>>
      %dma_start3A = arith.constant 0 : i32
      %dma_start3A_31 = tpu.memref_slice %arg9[%add3A_11, %dma_start3A] : memref<10240x128xf32, #tpu.memory_space<vmem_shared>> -> memref<128x128xf32, #tpu.memory_space<vmem_shared>>
      %dma_start3A_32 = arith.constant 0 : i32
      %dma_start3A_33 = tpu.memref_slice %arg9[%add3A_11, %dma_start3A_32] : memref<10240x128xf32, #tpu.memory_space<vmem_shared>> -> memref<128x128xf32, #tpu.memory_space<vmem_shared>>
      tpu.enqueue_dma source(%arg8 : memref<128x128xf32, #tpu.memory_space<vmem>>) target(%dma_start3A_33 : memref<128x128xf32, #tpu.memory_space<vmem_shared>>) target_semaphore(%run_scoped3A : memref<!tpu.dma_semaphore, #tpu.memory_space<semaphore_mem>>)
      %dma_wait3A = arith.constant 0 : i32
      %dma_wait3A_34 = tpu.memref_slice %arg9[%add3A_11, %dma_wait3A] : memref<10240x128xf32, #tpu.memory_space<vmem_shared>> -> memref<128x128xf32, #tpu.memory_space<vmem_shared>>
      %dma_wait3A_35 = arith.constant 0 : i32
      %dma_wait3A_36 = tpu.memref_slice %arg9[%add3A_11, %dma_wait3A_35] : memref<10240x128xf32, #tpu.memory_space<vmem_shared>> -> memref<128x128xf32, #tpu.memory_space<vmem_shared>>
      tpu.wait_dma2 semaphore(%run_scoped3A : memref<!tpu.dma_semaphore, #tpu.memory_space<semaphore_mem>>) src(%arg8 : memref<128x128xf32, #tpu.memory_space<vmem>>) dst(%dma_wait3A_36 : memref<128x128xf32, #tpu.memory_space<vmem_shared>>)
      tpu.yield
    }) : () -> ()
    %add3A_12 = arith.constant 384 : i32
    %add3A_13 = arith.addi %mul3A_6, %add3A_12 : i32
    "tpu.region"() ({
      %run_scoped3A = tpu.sem_alloc : memref<!tpu.dma_semaphore, #tpu.memory_space<semaphore_mem>>
      %dma_start3A = arith.constant 0 : i32
      %dma_start3A_31 = tpu.memref_slice %arg9[%add3A_13, %dma_start3A] : memref<10240x128xf32, #tpu.memory_space<vmem_shared>> -> memref<128x128xf32, #tpu.memory_space<vmem_shared>>
      %dma_start3A_32 = arith.constant 0 : i32
      %dma_start3A_33 = tpu.memref_slice %arg9[%add3A_13, %dma_start3A_32] : memref<10240x128xf32, #tpu.memory_space<vmem_shared>> -> memref<128x128xf32, #tpu.memory_space<vmem_shared>>
      tpu.enqueue_dma source(%arg8 : memref<128x128xf32, #tpu.memory_space<vmem>>) target(%dma_start3A_33 : memref<128x128xf32, #tpu.memory_space<vmem_shared>>) target_semaphore(%run_scoped3A : memref<!tpu.dma_semaphore, #tpu.memory_space<semaphore_mem>>)
      %dma_wait3A = arith.constant 0 : i32
      %dma_wait3A_34 = tpu.memref_slice %arg9[%add3A_13, %dma_wait3A] : memref<10240x128xf32, #tpu.memory_space<vmem_shared>> -> memref<128x128xf32, #tpu.memory_space<vmem_shared>>
      %dma_wait3A_35 = arith.constant 0 : i32
      %dma_wait3A_36 = tpu.memref_slice %arg9[%add3A_13, %dma_wait3A_35] : memref<10240x128xf32, #tpu.memory_space<vmem_shared>> -> memref<128x128xf32, #tpu.memory_space<vmem_shared>>
      tpu.wait_dma2 semaphore(%run_scoped3A : memref<!tpu.dma_semaphore, #tpu.memory_space<semaphore_mem>>) src(%arg8 : memref<128x128xf32, #tpu.memory_space<vmem>>) dst(%dma_wait3A_36 : memref<128x128xf32, #tpu.memory_space<vmem_shared>>)
      tpu.yield
    }) : () -> ()
    %add3A_14 = arith.constant 512 : i32
    %add3A_15 = arith.addi %mul3A_6, %add3A_14 : i32
    "tpu.region"() ({
      %run_scoped3A = tpu.sem_alloc : memref<!tpu.dma_semaphore, #tpu.memory_space<semaphore_mem>>
      %dma_start3A = arith.constant 0 : i32
      %dma_start3A_31 = tpu.memref_slice %arg9[%add3A_15, %dma_start3A] : memref<10240x128xf32, #tpu.memory_space<vmem_shared>> -> memref<128x128xf32, #tpu.memory_space<vmem_shared>>
      %dma_start3A_32 = arith.constant 0 : i32
      %dma_start3A_33 = tpu.memref_slice %arg9[%add3A_15, %dma_start3A_32] : memref<10240x128xf32, #tpu.memory_space<vmem_shared>> -> memref<128x128xf32, #tpu.memory_space<vmem_shared>>
      tpu.enqueue_dma source(%arg8 : memref<128x128xf32, #tpu.memory_space<vmem>>) target(%dma_start3A_33 : memref<128x128xf32, #tpu.memory_space<vmem_shared>>) target_semaphore(%run_scoped3A : memref<!tpu.dma_semaphore, #tpu.memory_space<semaphore_mem>>)
      %dma_wait3A = arith.constant 0 : i32
      %dma_wait3A_34 = tpu.memref_slice %arg9[%add3A_15, %dma_wait3A] : memref<10240x128xf32, #tpu.memory_space<vmem_shared>> -> memref<128x128xf32, #tpu.memory_space<vmem_shared>>
      %dma_wait3A_35 = arith.constant 0 : i32
      %dma_wait3A_36 = tpu.memref_slice %arg9[%add3A_15, %dma_wait3A_35] : memref<10240x128xf32, #tpu.memory_space<vmem_shared>> -> memref<128x128xf32, #tpu.memory_space<vmem_shared>>
      tpu.wait_dma2 semaphore(%run_scoped3A : memref<!tpu.dma_semaphore, #tpu.memory_space<semaphore_mem>>) src(%arg8 : memref<128x128xf32, #tpu.memory_space<vmem>>) dst(%dma_wait3A_36 : memref<128x128xf32, #tpu.memory_space<vmem_shared>>)
      tpu.yield
    }) : () -> ()
    %barrier3A = arith.constant 0 : index
    tpu.barrier barrier_id(%barrier3A)
    %mul3A_16 = arith.constant 16 : i32
    %mul3A_17 = arith.muli %arg0, %mul3A_16 : i32
    %add3A_18 = arith.addi %mul3A_17, %arg1 : i32
    "tpu.region"() ({
      %run_scoped3A = tpu.sem_alloc : memref<!tpu.dma_semaphore, #tpu.memory_space<semaphore_mem>>
      %dma_start3A = arith.constant 0 : i32
      %dma_start3A_31 = arith.constant 0 : i32
      %dma_start3A_32 = tpu.memref_slice %arg3[%add3A_18, %dma_start3A, %dma_start3A_31] : memref<32x160x128xi32, #tpu.memory_space<hbm>> -> memref<1x160x128xi32, #tpu.memory_space<hbm>>
      %dma_start3A_33 = tpu.memref_squeeze %dma_start3A_32 : memref<1x160x128xi32, #tpu.memory_space<hbm>> -> memref<160x128xi32, #tpu.memory_space<hbm>>
      %dma_start3A_34 = arith.constant 0 : i32
      %dma_start3A_35 = arith.constant 0 : i32
      %dma_start3A_36 = tpu.memref_slice %arg3[%add3A_18, %dma_start3A_34, %dma_start3A_35] : memref<32x160x128xi32, #tpu.memory_space<hbm>> -> memref<1x160x128xi32, #tpu.memory_space<hbm>>
      %dma_start3A_37 = tpu.memref_squeeze %dma_start3A_36 : memref<1x160x128xi32, #tpu.memory_space<hbm>> -> memref<160x128xi32, #tpu.memory_space<hbm>>
      tpu.enqueue_dma source(%dma_start3A_37 : memref<160x128xi32, #tpu.memory_space<hbm>>) target(%arg5 : memref<160x128xi32, #tpu.memory_space<vmem>>) target_semaphore(%run_scoped3A : memref<!tpu.dma_semaphore, #tpu.memory_space<semaphore_mem>>)
      %dma_wait3A = arith.constant 0 : i32
      %dma_wait3A_38 = arith.constant 0 : i32
      %dma_wait3A_39 = tpu.memref_slice %arg3[%add3A_18, %dma_wait3A, %dma_wait3A_38] : memref<32x160x128xi32, #tpu.memory_space<hbm>> -> memref<1x160x128xi32, #tpu.memory_space<hbm>>
      %dma_wait3A_40 = tpu.memref_squeeze %dma_wait3A_39 : memref<1x160x128xi32, #tpu.memory_space<hbm>> -> memref<160x128xi32, #tpu.memory_space<hbm>>
      %dma_wait3A_41 = arith.constant 0 : i32
      %dma_wait3A_42 = arith.constant 0 : i32
      %dma_wait3A_43 = tpu.memref_slice %arg3[%add3A_18, %dma_wait3A_41, %dma_wait3A_42] : memref<32x160x128xi32, #tpu.memory_space<hbm>> -> memref<1x160x128xi32, #tpu.memory_space<hbm>>
      %dma_wait3A_44 = tpu.memref_squeeze %dma_wait3A_43 : memref<1x160x128xi32, #tpu.memory_space<hbm>> -> memref<160x128xi32, #tpu.memory_space<hbm>>
      tpu.wait_dma2 semaphore(%run_scoped3A : memref<!tpu.dma_semaphore, #tpu.memory_space<semaphore_mem>>) src(%dma_wait3A_44 : memref<160x128xi32, #tpu.memory_space<hbm>>) dst(%arg5 : memref<160x128xi32, #tpu.memory_space<vmem>>)
      tpu.yield
    }) : () -> ()
    %eq3A = arith.constant 0 : i32
    %eq3A_19 = arith.cmpi eq, %arg0, %eq3A : i32
    %jit3A = arith.constant 140 : i32
    %jit3A_20 = arith.constant 20 : i32
    %select_n3A = arith.select %eq3A_19, %jit3A, %jit3A_20 : i32
    %while3A = arith.constant 0 : i32
    %while3A_21 = arith.constant 0 : i32
    %while3A_22 = arith.subi %select_n3A, %while3A_21 : i32
    %while3A_23 = arith.addi %while3A_21, %while3A_22 : i32
    %while3A_24 = arith.constant 1 : i32
    %while3A_25 = arith.divsi %while3A_22, %while3A_24 : i32
    %while3A_26 = arith.muli %while3A_25, %while3A_24 : i32
    %while3A_27 = arith.addi %while3A_21, %while3A_26 : i32
    %while3A_28 = arith.constant 1 : i32
    scf.for %while3A_31 = %while3A_21 to %while3A_27 step %while3A_28  : i32 {
      %get3A = arith.index_cast %while3A_31 : i32 to index
      %get3A_32 = arith.constant 0 : index
      %get3A_33 = tpu.vector_load %arg5[%get3A, %get3A_32] {strides = array<i32>} : memref<160x128xi32, #tpu.memory_space<vmem>>, vector<1x16xi32>,
      %get3A_34 = vector.shape_cast %get3A_33 : vector<1x16xi32> to vector<16xi32>
      %and3A = arith.constant 16383 : i32
      %and3A_35 = vector.broadcast %and3A : i32 to vector<16xi32>
      %and3A_36 = arith.andi %get3A_34, %and3A_35 : vector<16xi32>
      %swap3A = arith.constant 0 : i32
      %swap3A_37 = arith.index_cast %swap3A : i32 to index
      %swap3A_38 = arith.constant 0 : index
      %swap3A_39 = tpu.vector_load %arg6[%swap3A_37, %swap3A_38] {strides = array<i32>} : memref<2x128xi32, #tpu.memory_space<vmem>>, vector<1x16xi32>,
      %swap3A_40 = vector.shape_cast %swap3A_39 : vector<1x16xi32> to vector<16xi32>
      %swap3A_41 = vector.shape_cast %and3A_36 : vector<16xi32> to vector<1x16xi32>
      tpu.vector_store %arg6[%swap3A_37, %swap3A_38], %swap3A_41 {strides = array<i32>} : memref<2x128xi32, #tpu.memory_space<vmem>>, vector<1x16xi32>,
      %shift_right_logical3A = arith.constant 14 : i32
      %shift_right_logical3A_42 = vector.broadcast %shift_right_logical3A : i32 to vector<16xi32>
      %shift_right_logical3A_43 = arith.shrui %get3A_34, %shift_right_logical3A_42 : vector<16xi32>
      %swap3A_44 = arith.constant 0 : i32
      %swap3A_45 = arith.index_cast %swap3A_44 : i32 to index
      %swap3A_46 = arith.constant 0 : index
      %swap3A_47 = tpu.vector_load %arg7[%swap3A_45, %swap3A_46] {strides = array<i32>} : memref<2x128xi32, #tpu.memory_space<vmem>>, vector<1x16xi32>,
      %swap3A_48 = vector.shape_cast %swap3A_47 : vector<1x16xi32> to vector<16xi32>
      %swap3A_49 = vector.shape_cast %shift_right_logical3A_43 : vector<16xi32> to vector<1x16xi32>
      tpu.vector_store %arg7[%swap3A_45, %swap3A_46], %swap3A_49 {strides = array<i32>} : memref<2x128xi32, #tpu.memory_space<vmem>>, vector<1x16xi32>,
      %get3A_50 = arith.index_cast %while3A_31 : i32 to index
      %get3A_51 = arith.constant 16 : index
      %get3A_52 = tpu.vector_load %arg5[%get3A_50, %get3A_51] {strides = array<i32>} : memref<160x128xi32, #tpu.memory_space<vmem>>, vector<1x16xi32>,
      %get3A_53 = vector.shape_cast %get3A_52 : vector<1x16xi32> to vector<16xi32>
      %and3A_54 = arith.constant 16383 : i32
      %and3A_55 = vector.broadcast %and3A_54 : i32 to vector<16xi32>
      %and3A_56 = arith.andi %get3A_53, %and3A_55 : vector<16xi32>
      %swap3A_57 = arith.constant 0 : i32
      %swap3A_58 = arith.index_cast %swap3A_57 : i32 to index
      %swap3A_59 = arith.constant 16 : index
      %swap3A_60 = tpu.vector_load %arg6[%swap3A_58, %swap3A_59] {strides = array<i32>} : memref<2x128xi32, #tpu.memory_space<vmem>>, vector<1x16xi32>,
      %swap3A_61 = vector.shape_cast %swap3A_60 : vector<1x16xi32> to vector<16xi32>
      %swap3A_62 = vector.shape_cast %and3A_56 : vector<16xi32> to vector<1x16xi32>
      tpu.vector_store %arg6[%swap3A_58, %swap3A_59], %swap3A_62 {strides = array<i32>} : memref<2x128xi32, #tpu.memory_space<vmem>>, vector<1x16xi32>,
      %shift_right_logical3A_63 = arith.constant 14 : i32
      %shift_right_logical3A_64 = vector.broadcast %shift_right_logical3A_63 : i32 to vector<16xi32>
      %shift_right_logical3A_65 = arith.shrui %get3A_53, %shift_right_logical3A_64 : vector<16xi32>
      %swap3A_66 = arith.constant 0 : i32
      %swap3A_67 = arith.index_cast %swap3A_66 : i32 to index
      %swap3A_68 = arith.constant 16 : index
      %swap3A_69 = tpu.vector_load %arg7[%swap3A_67, %swap3A_68] {strides = array<i32>} : memref<2x128xi32, #tpu.memory_space<vmem>>, vector<1x16xi32>,
      %swap3A_70 = vector.shape_cast %swap3A_69 : vector<1x16xi32> to vector<16xi32>
      %swap3A_71 = vector.shape_cast %shift_right_logical3A_65 : vector<16xi32> to vector<1x16xi32>
      tpu.vector_store %arg7[%swap3A_67, %swap3A_68], %swap3A_71 {strides = array<i32>} : memref<2x128xi32, #tpu.memory_space<vmem>>, vector<1x16xi32>,
      %get3A_72 = arith.index_cast %while3A_31 : i32 to index
      %get3A_73 = arith.constant 32 : index
      %get3A_74 = tpu.vector_load %arg5[%get3A_72, %get3A_73] {strides = array<i32>} : memref<160x128xi32, #tpu.memory_space<vmem>>, vector<1x16xi32>,
      %get3A_75 = vector.shape_cast %get3A_74 : vector<1x16xi32> to vector<16xi32>
      %and3A_76 = arith.constant 16383 : i32
      %and3A_77 = vector.broadcast %and3A_76 : i32 to vector<16xi32>
      %and3A_78 = arith.andi %get3A_75, %and3A_77 : vector<16xi32>
      %swap3A_79 = arith.constant 0 : i32
      %swap3A_80 = arith.index_cast %swap3A_79 : i32 to index
      %swap3A_81 = arith.constant 32 : index
      %swap3A_82 = tpu.vector_load %arg6[%swap3A_80, %swap3A_81] {strides = array<i32>} : memref<2x128xi32, #tpu.memory_space<vmem>>, vector<1x16xi32>,
      %swap3A_83 = vector.shape_cast %swap3A_82 : vector<1x16xi32> to vector<16xi32>
      %swap3A_84 = vector.shape_cast %and3A_78 : vector<16xi32> to vector<1x16xi32>
      tpu.vector_store %arg6[%swap3A_80, %swap3A_81], %swap3A_84 {strides = array<i32>} : memref<2x128xi32, #tpu.memory_space<vmem>>, vector<1x16xi32>,
      %shift_right_logical3A_85 = arith.constant 14 : i32
      %shift_right_logical3A_86 = vector.broadcast %shift_right_logical3A_85 : i32 to vector<16xi32>
      %shift_right_logical3A_87 = arith.shrui %get3A_75, %shift_right_logical3A_86 : vector<16xi32>
      %swap3A_88 = arith.constant 0 : i32
      %swap3A_89 = arith.index_cast %swap3A_88 : i32 to index
      %swap3A_90 = arith.constant 32 : index
      %swap3A_91 = tpu.vector_load %arg7[%swap3A_89, %swap3A_90] {strides = array<i32>} : memref<2x128xi32, #tpu.memory_space<vmem>>, vector<1x16xi32>,
      %swap3A_92 = vector.shape_cast %swap3A_91 : vector<1x16xi32> to vector<16xi32>
      %swap3A_93 = vector.shape_cast %shift_right_logical3A_87 : vector<16xi32> to vector<1x16xi32>
      tpu.vector_store %arg7[%swap3A_89, %swap3A_90], %swap3A_93 {strides = array<i32>} : memref<2x128xi32, #tpu.memory_space<vmem>>, vector<1x16xi32>,
      %get3A_94 = arith.index_cast %while3A_31 : i32 to index
      %get3A_95 = arith.constant 48 : index
      %get3A_96 = tpu.vector_load %arg5[%get3A_94, %get3A_95] {strides = array<i32>} : memref<160x128xi32, #tpu.memory_space<vmem>>, vector<1x16xi32>,
      %get3A_97 = vector.shape_cast %get3A_96 : vector<1x16xi32> to vector<16xi32>
      %and3A_98 = arith.constant 16383 : i32
      %and3A_99 = vector.broadcast %and3A_98 : i32 to vector<16xi32>
      %and3A_100 = arith.andi %get3A_97, %and3A_99 : vector<16xi32>
      %swap3A_101 = arith.constant 0 : i32
      %swap3A_102 = arith.index_cast %swap3A_101 : i32 to index
      %swap3A_103 = arith.constant 48 : index
      %swap3A_104 = tpu.vector_load %arg6[%swap3A_102, %swap3A_103] {strides = array<i32>} : memref<2x128xi32, #tpu.memory_space<vmem>>, vector<1x16xi32>,
      %swap3A_105 = vector.shape_cast %swap3A_104 : vector<1x16xi32> to vector<16xi32>
      %swap3A_106 = vector.shape_cast %and3A_100 : vector<16xi32> to vector<1x16xi32>
      tpu.vector_store %arg6[%swap3A_102, %swap3A_103], %swap3A_106 {strides = array<i32>} : memref<2x128xi32, #tpu.memory_space<vmem>>, vector<1x16xi32>,
      %shift_right_logical3A_107 = arith.constant 14 : i32
      %shift_right_logical3A_108 = vector.broadcast %shift_right_logical3A_107 : i32 to vector<16xi32>
      %shift_right_logical3A_109 = arith.shrui %get3A_97, %shift_right_logical3A_108 : vector<16xi32>
      %swap3A_110 = arith.constant 0 : i32
      %swap3A_111 = arith.index_cast %swap3A_110 : i32 to index
      %swap3A_112 = arith.constant 48 : index
      %swap3A_113 = tpu.vector_load %arg7[%swap3A_111, %swap3A_112] {strides = array<i32>} : memref<2x128xi32, #tpu.memory_space<vmem>>, vector<1x16xi32>,
      %swap3A_114 = vector.shape_cast %swap3A_113 : vector<1x16xi32> to vector<16xi32>
      %swap3A_115 = vector.shape_cast %shift_right_logical3A_109 : vector<16xi32> to vector<1x16xi32>
      tpu.vector_store %arg7[%swap3A_111, %swap3A_112], %swap3A_115 {strides = array<i32>} : memref<2x128xi32, #tpu.memory_space<vmem>>, vector<1x16xi32>,
      %get3A_116 = arith.index_cast %while3A_31 : i32 to index
      %get3A_117 = arith.constant 64 : index
      %get3A_118 = tpu.vector_load %arg5[%get3A_116, %get3A_117] {strides = array<i32>} : memref<160x128xi32, #tpu.memory_space<vmem>>, vector<1x16xi32>,
      %get3A_119 = vector.shape_cast %get3A_118 : vector<1x16xi32> to vector<16xi32>
      %and3A_120 = arith.constant 16383 : i32
      %and3A_121 = vector.broadcast %and3A_120 : i32 to vector<16xi32>
      %and3A_122 = arith.andi %get3A_119, %and3A_121 : vector<16xi32>
      %swap3A_123 = arith.constant 0 : i32
      %swap3A_124 = arith.index_cast %swap3A_123 : i32 to index
      %swap3A_125 = arith.constant 64 : index
      %swap3A_126 = tpu.vector_load %arg6[%swap3A_124, %swap3A_125] {strides = array<i32>} : memref<2x128xi32, #tpu.memory_space<vmem>>, vector<1x16xi32>,
      %swap3A_127 = vector.shape_cast %swap3A_126 : vector<1x16xi32> to vector<16xi32>
      %swap3A_128 = vector.shape_cast %and3A_122 : vector<16xi32> to vector<1x16xi32>
      tpu.vector_store %arg6[%swap3A_124, %swap3A_125], %swap3A_128 {strides = array<i32>} : memref<2x128xi32, #tpu.memory_space<vmem>>, vector<1x16xi32>,
      %shift_right_logical3A_129 = arith.constant 14 : i32
      %shift_right_logical3A_130 = vector.broadcast %shift_right_logical3A_129 : i32 to vector<16xi32>
      %shift_right_logical3A_131 = arith.shrui %get3A_119, %shift_right_logical3A_130 : vector<16xi32>
      %swap3A_132 = arith.constant 0 : i32
      %swap3A_133 = arith.index_cast %swap3A_132 : i32 to index
      %swap3A_134 = arith.constant 64 : index
      %swap3A_135 = tpu.vector_load %arg7[%swap3A_133, %swap3A_134] {strides = array<i32>} : memref<2x128xi32, #tpu.memory_space<vmem>>, vector<1x16xi32>,
      %swap3A_136 = vector.shape_cast %swap3A_135 : vector<1x16xi32> to vector<16xi32>
      %swap3A_137 = vector.shape_cast %shift_right_logical3A_131 : vector<16xi32> to vector<1x16xi32>
      tpu.vector_store %arg7[%swap3A_133, %swap3A_134], %swap3A_137 {strides = array<i32>} : memref<2x128xi32, #tpu.memory_space<vmem>>, vector<1x16xi32>,
      %get3A_138 = arith.index_cast %while3A_31 : i32 to index
      %get3A_139 = arith.constant 80 : index
      %get3A_140 = tpu.vector_load %arg5[%get3A_138, %get3A_139] {strides = array<i32>} : memref<160x128xi32, #tpu.memory_space<vmem>>, vector<1x16xi32>,
      %get3A_141 = vector.shape_cast %get3A_140 : vector<1x16xi32> to vector<16xi32>
      %and3A_142 = arith.constant 16383 : i32
      %and3A_143 = vector.broadcast %and3A_142 : i32 to vector<16xi32>
      %and3A_144 = arith.andi %get3A_141, %and3A_143 : vector<16xi32>
      %swap3A_145 = arith.constant 0 : i32
      %swap3A_146 = arith.index_cast %swap3A_145 : i32 to index
      %swap3A_147 = arith.constant 80 : index
      %swap3A_148 = tpu.vector_load %arg6[%swap3A_146, %swap3A_147] {strides = array<i32>} : memref<2x128xi32, #tpu.memory_space<vmem>>, vector<1x16xi32>,
      %swap3A_149 = vector.shape_cast %swap3A_148 : vector<1x16xi32> to vector<16xi32>
      %swap3A_150 = vector.shape_cast %and3A_144 : vector<16xi32> to vector<1x16xi32>
      tpu.vector_store %arg6[%swap3A_146, %swap3A_147], %swap3A_150 {strides = array<i32>} : memref<2x128xi32, #tpu.memory_space<vmem>>, vector<1x16xi32>,
      %shift_right_logical3A_151 = arith.constant 14 : i32
      %shift_right_logical3A_152 = vector.broadcast %shift_right_logical3A_151 : i32 to vector<16xi32>
      %shift_right_logical3A_153 = arith.shrui %get3A_141, %shift_right_logical3A_152 : vector<16xi32>
      %swap3A_154 = arith.constant 0 : i32
      %swap3A_155 = arith.index_cast %swap3A_154 : i32 to index
      %swap3A_156 = arith.constant 80 : index
      %swap3A_157 = tpu.vector_load %arg7[%swap3A_155, %swap3A_156] {strides = array<i32>} : memref<2x128xi32, #tpu.memory_space<vmem>>, vector<1x16xi32>,
      %swap3A_158 = vector.shape_cast %swap3A_157 : vector<1x16xi32> to vector<16xi32>
      %swap3A_159 = vector.shape_cast %shift_right_logical3A_153 : vector<16xi32> to vector<1x16xi32>
      tpu.vector_store %arg7[%swap3A_155, %swap3A_156], %swap3A_159 {strides = array<i32>} : memref<2x128xi32, #tpu.memory_space<vmem>>, vector<1x16xi32>,
      %get3A_160 = arith.index_cast %while3A_31 : i32 to index
      %get3A_161 = arith.constant 96 : index
      %get3A_162 = tpu.vector_load %arg5[%get3A_160, %get3A_161] {strides = array<i32>} : memref<160x128xi32, #tpu.memory_space<vmem>>, vector<1x16xi32>,
      %get3A_163 = vector.shape_cast %get3A_162 : vector<1x16xi32> to vector<16xi32>
      %and3A_164 = arith.constant 16383 : i32
      %and3A_165 = vector.broadcast %and3A_164 : i32 to vector<16xi32>
      %and3A_166 = arith.andi %get3A_163, %and3A_165 : vector<16xi32>
      %swap3A_167 = arith.constant 0 : i32
      %swap3A_168 = arith.index_cast %swap3A_167 : i32 to index
      %swap3A_169 = arith.constant 96 : index
      %swap3A_170 = tpu.vector_load %arg6[%swap3A_168, %swap3A_169] {strides = array<i32>} : memref<2x128xi32, #tpu.memory_space<vmem>>, vector<1x16xi32>,
      %swap3A_171 = vector.shape_cast %swap3A_170 : vector<1x16xi32> to vector<16xi32>
      %swap3A_172 = vector.shape_cast %and3A_166 : vector<16xi32> to vector<1x16xi32>
      tpu.vector_store %arg6[%swap3A_168, %swap3A_169], %swap3A_172 {strides = array<i32>} : memref<2x128xi32, #tpu.memory_space<vmem>>, vector<1x16xi32>,
      %shift_right_logical3A_173 = arith.constant 14 : i32
      %shift_right_logical3A_174 = vector.broadcast %shift_right_logical3A_173 : i32 to vector<16xi32>
      %shift_right_logical3A_175 = arith.shrui %get3A_163, %shift_right_logical3A_174 : vector<16xi32>
      %swap3A_176 = arith.constant 0 : i32
      %swap3A_177 = arith.index_cast %swap3A_176 : i32 to index
      %swap3A_178 = arith.constant 96 : index
      %swap3A_179 = tpu.vector_load %arg7[%swap3A_177, %swap3A_178] {strides = array<i32>} : memref<2x128xi32, #tpu.memory_space<vmem>>, vector<1x16xi32>,
      %swap3A_180 = vector.shape_cast %swap3A_179 : vector<1x16xi32> to vector<16xi32>
      %swap3A_181 = vector.shape_cast %shift_right_logical3A_175 : vector<16xi32> to vector<1x16xi32>
      tpu.vector_store %arg7[%swap3A_177, %swap3A_178], %swap3A_181 {strides = array<i32>} : memref<2x128xi32, #tpu.memory_space<vmem>>, vector<1x16xi32>,
      %get3A_182 = arith.index_cast %while3A_31 : i32 to index
      %get3A_183 = arith.constant 112 : index
      %get3A_184 = tpu.vector_load %arg5[%get3A_182, %get3A_183] {strides = array<i32>} : memref<160x128xi32, #tpu.memory_space<vmem>>, vector<1x16xi32>,
      %get3A_185 = vector.shape_cast %get3A_184 : vector<1x16xi32> to vector<16xi32>
      %and3A_186 = arith.constant 16383 : i32
      %and3A_187 = vector.broadcast %and3A_186 : i32 to vector<16xi32>
      %and3A_188 = arith.andi %get3A_185, %and3A_187 : vector<16xi32>
      %swap3A_189 = arith.constant 0 : i32
      %swap3A_190 = arith.index_cast %swap3A_189 : i32 to index
      %swap3A_191 = arith.constant 112 : index
      %swap3A_192 = tpu.vector_load %arg6[%swap3A_190, %swap3A_191] {strides = array<i32>} : memref<2x128xi32, #tpu.memory_space<vmem>>, vector<1x16xi32>,
      %swap3A_193 = vector.shape_cast %swap3A_192 : vector<1x16xi32> to vector<16xi32>
      %swap3A_194 = vector.shape_cast %and3A_188 : vector<16xi32> to vector<1x16xi32>
      tpu.vector_store %arg6[%swap3A_190, %swap3A_191], %swap3A_194 {strides = array<i32>} : memref<2x128xi32, #tpu.memory_space<vmem>>, vector<1x16xi32>,
      %shift_right_logical3A_195 = arith.constant 14 : i32
      %shift_right_logical3A_196 = vector.broadcast %shift_right_logical3A_195 : i32 to vector<16xi32>
      %shift_right_logical3A_197 = arith.shrui %get3A_185, %shift_right_logical3A_196 : vector<16xi32>
      %swap3A_198 = arith.constant 0 : i32
      %swap3A_199 = arith.index_cast %swap3A_198 : i32 to index
      %swap3A_200 = arith.constant 112 : index
      %swap3A_201 = tpu.vector_load %arg7[%swap3A_199, %swap3A_200] {strides = array<i32>} : memref<2x128xi32, #tpu.memory_space<vmem>>, vector<1x16xi32>,
      %swap3A_202 = vector.shape_cast %swap3A_201 : vector<1x16xi32> to vector<16xi32>
      %swap3A_203 = vector.shape_cast %shift_right_logical3A_197 : vector<16xi32> to vector<1x16xi32>
      tpu.vector_store %arg7[%swap3A_199, %swap3A_200], %swap3A_203 {strides = array<i32>} : memref<2x128xi32, #tpu.memory_space<vmem>>, vector<1x16xi32>,
      %dma_start3A = arith.constant 0 : i32
      %dma_start3A_204 = arith.constant 0 : i32
      %dma_start3A_205 = tpu.memref_slice %arg6[%dma_start3A, %dma_start3A_204] : memref<2x128xi32, #tpu.memory_space<vmem>> -> memref<1x128xi32, #tpu.memory_space<vmem>>
      %dma_start3A_206 = tpu.memref_squeeze %dma_start3A_205 : memref<1x128xi32, #tpu.memory_space<vmem>> -> memref<128xi32, #tpu.memory_space<vmem>>
      %dma_start3A_207 = arith.constant 0 : i32
      %dma_start3A_208 = arith.constant 0 : i32
      %dma_start3A_209 = tpu.memref_slice %arg2[%dma_start3A_207, %dma_start3A_208] : memref<10000x128xf32, #tpu.memory_space<hbm>> -> memref<10000x128xf32, #tpu.memory_space<hbm>>
      tpu.enqueue_indirect_dma source(%dma_start3A_209 : memref<10000x128xf32, #tpu.memory_space<hbm>>) target(%arg8 : memref<128x128xf32, #tpu.memory_space<vmem>>) offsets(%dma_start3A_206 : memref<128xi32, #tpu.memory_space<vmem>>) semaphore(%arg10 : memref<!tpu.dma_semaphore, #tpu.memory_space<semaphore_mem>>)
      %dma_wait3A = arith.constant 0 : i32
      %dma_wait3A_210 = arith.constant 0 : i32
      %dma_wait3A_211 = tpu.memref_slice %arg6[%dma_wait3A, %dma_wait3A_210] : memref<2x128xi32, #tpu.memory_space<vmem>> -> memref<1x128xi32, #tpu.memory_space<vmem>>
      %dma_wait3A_212 = tpu.memref_squeeze %dma_wait3A_211 : memref<1x128xi32, #tpu.memory_space<vmem>> -> memref<128xi32, #tpu.memory_space<vmem>>
      %dma_wait3A_213 = arith.constant 0 : i32
      %dma_wait3A_214 = arith.constant 0 : i32
      %dma_wait3A_215 = tpu.memref_slice %arg2[%dma_wait3A_213, %dma_wait3A_214] : memref<10000x128xf32, #tpu.memory_space<hbm>> -> memref<10000x128xf32, #tpu.memory_space<hbm>>
      tpu.wait_indirect_dma semaphore(%arg10 : memref<!tpu.dma_semaphore, #tpu.memory_space<semaphore_mem>>) src(%dma_wait3A_215 : memref<10000x128xf32, #tpu.memory_space<hbm>>) dst(%arg8 : memref<128x128xf32, #tpu.memory_space<vmem>>)
      %run_scoped3A = arith.constant 0 : i32
      "tpu.region"() ({
        %run_scoped3A_216 = tpu.sem_alloc : memref<!tpu.dma_semaphore, #tpu.memory_space<semaphore_mem>>
        %dma_start3A_217 = arith.constant 0 : i32
        %dma_start3A_218 = tpu.memref_slice %arg7[%run_scoped3A, %dma_start3A_217] : memref<2x128xi32, #tpu.memory_space<vmem>> -> memref<1x128xi32, #tpu.memory_space<vmem>>
        %dma_start3A_219 = tpu.memref_squeeze %dma_start3A_218 : memref<1x128xi32, #tpu.memory_space<vmem>> -> memref<128xi32, #tpu.memory_space<vmem>>
        %dma_start3A_220 = arith.constant 0 : i32
        %dma_start3A_221 = arith.constant 0 : i32
        %dma_start3A_222 = tpu.memref_slice %arg9[%dma_start3A_220, %dma_start3A_221] : memref<10240x128xf32, #tpu.memory_space<vmem_shared>> -> memref<10240x128xf32, #tpu.memory_space<vmem_shared>>
        tpu.enqueue_indirect_dma source(%arg8 : memref<128x128xf32, #tpu.memory_space<vmem>>) target(%dma_start3A_222 : memref<10240x128xf32, #tpu.memory_space<vmem_shared>>) offsets(%dma_start3A_219 : memref<128xi32, #tpu.memory_space<vmem>>) semaphore(%run_scoped3A_216 : memref<!tpu.dma_semaphore, #tpu.memory_space<semaphore_mem>>) {add = true}
        %dma_wait3A_223 = arith.constant 0 : i32
        %dma_wait3A_224 = tpu.memref_slice %arg7[%run_scoped3A, %dma_wait3A_223] : memref<2x128xi32, #tpu.memory_space<vmem>> -> memref<1x128xi32, #tpu.memory_space<vmem>>
        %dma_wait3A_225 = tpu.memref_squeeze %dma_wait3A_224 : memref<1x128xi32, #tpu.memory_space<vmem>> -> memref<128xi32, #tpu.memory_space<vmem>>
        %dma_wait3A_226 = arith.constant 0 : i32
        %dma_wait3A_227 = arith.constant 0 : i32
        %dma_wait3A_228 = tpu.memref_slice %arg9[%dma_wait3A_226, %dma_wait3A_227] : memref<10240x128xf32, #tpu.memory_space<vmem_shared>> -> memref<10240x128xf32, #tpu.memory_space<vmem_shared>>
        tpu.wait_indirect_dma semaphore(%run_scoped3A_216 : memref<!tpu.dma_semaphore, #tpu.memory_space<semaphore_mem>>) src(%arg8 : memref<128x128xf32, #tpu.memory_space<vmem>>) dst(%dma_wait3A_228 : memref<10240x128xf32, #tpu.memory_space<vmem_shared>>)
        tpu.yield
      }) : () -> ()
    }
    %while3A_29 = arith.constant 1 : i32
    scf.for %while3A_31 = %while3A_27 to %while3A_23 step %while3A_29  : i32 {
      %get3A = arith.index_cast %while3A_31 : i32 to index
      %get3A_32 = arith.constant 0 : index
      %get3A_33 = tpu.vector_load %arg5[%get3A, %get3A_32] {strides = array<i32>} : memref<160x128xi32, #tpu.memory_space<vmem>>, vector<1x16xi32>,
      %get3A_34 = vector.shape_cast %get3A_33 : vector<1x16xi32> to vector<16xi32>
      %and3A = arith.constant 16383 : i32
      %and3A_35 = vector.broadcast %and3A : i32 to vector<16xi32>
      %and3A_36 = arith.andi %get3A_34, %and3A_35 : vector<16xi32>
      %swap3A = arith.constant 0 : i32
      %swap3A_37 = arith.index_cast %swap3A : i32 to index
      %swap3A_38 = arith.constant 0 : index
      %swap3A_39 = tpu.vector_load %arg6[%swap3A_37, %swap3A_38] {strides = array<i32>} : memref<2x128xi32, #tpu.memory_space<vmem>>, vector<1x16xi32>,
      %swap3A_40 = vector.shape_cast %swap3A_39 : vector<1x16xi32> to vector<16xi32>
      %swap3A_41 = vector.shape_cast %and3A_36 : vector<16xi32> to vector<1x16xi32>
      tpu.vector_store %arg6[%swap3A_37, %swap3A_38], %swap3A_41 {strides = array<i32>} : memref<2x128xi32, #tpu.memory_space<vmem>>, vector<1x16xi32>,
      %shift_right_logical3A = arith.constant 14 : i32
      %shift_right_logical3A_42 = vector.broadcast %shift_right_logical3A : i32 to vector<16xi32>
      %shift_right_logical3A_43 = arith.shrui %get3A_34, %shift_right_logical3A_42 : vector<16xi32>
      %swap3A_44 = arith.constant 0 : i32
      %swap3A_45 = arith.index_cast %swap3A_44 : i32 to index
      %swap3A_46 = arith.constant 0 : index
      %swap3A_47 = tpu.vector_load %arg7[%swap3A_45, %swap3A_46] {strides = array<i32>} : memref<2x128xi32, #tpu.memory_space<vmem>>, vector<1x16xi32>,
      %swap3A_48 = vector.shape_cast %swap3A_47 : vector<1x16xi32> to vector<16xi32>
      %swap3A_49 = vector.shape_cast %shift_right_logical3A_43 : vector<16xi32> to vector<1x16xi32>
      tpu.vector_store %arg7[%swap3A_45, %swap3A_46], %swap3A_49 {strides = array<i32>} : memref<2x128xi32, #tpu.memory_space<vmem>>, vector<1x16xi32>,
      %get3A_50 = arith.index_cast %while3A_31 : i32 to index
      %get3A_51 = arith.constant 16 : index
      %get3A_52 = tpu.vector_load %arg5[%get3A_50, %get3A_51] {strides = array<i32>} : memref<160x128xi32, #tpu.memory_space<vmem>>, vector<1x16xi32>,
      %get3A_53 = vector.shape_cast %get3A_52 : vector<1x16xi32> to vector<16xi32>
      %and3A_54 = arith.constant 16383 : i32
      %and3A_55 = vector.broadcast %and3A_54 : i32 to vector<16xi32>
      %and3A_56 = arith.andi %get3A_53, %and3A_55 : vector<16xi32>
      %swap3A_57 = arith.constant 0 : i32
      %swap3A_58 = arith.index_cast %swap3A_57 : i32 to index
      %swap3A_59 = arith.constant 16 : index
      %swap3A_60 = tpu.vector_load %arg6[%swap3A_58, %swap3A_59] {strides = array<i32>} : memref<2x128xi32, #tpu.memory_space<vmem>>, vector<1x16xi32>,
      %swap3A_61 = vector.shape_cast %swap3A_60 : vector<1x16xi32> to vector<16xi32>
      %swap3A_62 = vector.shape_cast %and3A_56 : vector<16xi32> to vector<1x16xi32>
      tpu.vector_store %arg6[%swap3A_58, %swap3A_59], %swap3A_62 {strides = array<i32>} : memref<2x128xi32, #tpu.memory_space<vmem>>, vector<1x16xi32>,
      %shift_right_logical3A_63 = arith.constant 14 : i32
      %shift_right_logical3A_64 = vector.broadcast %shift_right_logical3A_63 : i32 to vector<16xi32>
      %shift_right_logical3A_65 = arith.shrui %get3A_53, %shift_right_logical3A_64 : vector<16xi32>
      %swap3A_66 = arith.constant 0 : i32
      %swap3A_67 = arith.index_cast %swap3A_66 : i32 to index
      %swap3A_68 = arith.constant 16 : index
      %swap3A_69 = tpu.vector_load %arg7[%swap3A_67, %swap3A_68] {strides = array<i32>} : memref<2x128xi32, #tpu.memory_space<vmem>>, vector<1x16xi32>,
      %swap3A_70 = vector.shape_cast %swap3A_69 : vector<1x16xi32> to vector<16xi32>
      %swap3A_71 = vector.shape_cast %shift_right_logical3A_65 : vector<16xi32> to vector<1x16xi32>
      tpu.vector_store %arg7[%swap3A_67, %swap3A_68], %swap3A_71 {strides = array<i32>} : memref<2x128xi32, #tpu.memory_space<vmem>>, vector<1x16xi32>,
      %get3A_72 = arith.index_cast %while3A_31 : i32 to index
      %get3A_73 = arith.constant 32 : index
      %get3A_74 = tpu.vector_load %arg5[%get3A_72, %get3A_73] {strides = array<i32>} : memref<160x128xi32, #tpu.memory_space<vmem>>, vector<1x16xi32>,
      %get3A_75 = vector.shape_cast %get3A_74 : vector<1x16xi32> to vector<16xi32>
      %and3A_76 = arith.constant 16383 : i32
      %and3A_77 = vector.broadcast %and3A_76 : i32 to vector<16xi32>
      %and3A_78 = arith.andi %get3A_75, %and3A_77 : vector<16xi32>
      %swap3A_79 = arith.constant 0 : i32
      %swap3A_80 = arith.index_cast %swap3A_79 : i32 to index
      %swap3A_81 = arith.constant 32 : index
      %swap3A_82 = tpu.vector_load %arg6[%swap3A_80, %swap3A_81] {strides = array<i32>} : memref<2x128xi32, #tpu.memory_space<vmem>>, vector<1x16xi32>,
      %swap3A_83 = vector.shape_cast %swap3A_82 : vector<1x16xi32> to vector<16xi32>
      %swap3A_84 = vector.shape_cast %and3A_78 : vector<16xi32> to vector<1x16xi32>
      tpu.vector_store %arg6[%swap3A_80, %swap3A_81], %swap3A_84 {strides = array<i32>} : memref<2x128xi32, #tpu.memory_space<vmem>>, vector<1x16xi32>,
      %shift_right_logical3A_85 = arith.constant 14 : i32
      %shift_right_logical3A_86 = vector.broadcast %shift_right_logical3A_85 : i32 to vector<16xi32>
      %shift_right_logical3A_87 = arith.shrui %get3A_75, %shift_right_logical3A_86 : vector<16xi32>
      %swap3A_88 = arith.constant 0 : i32
      %swap3A_89 = arith.index_cast %swap3A_88 : i32 to index
      %swap3A_90 = arith.constant 32 : index
      %swap3A_91 = tpu.vector_load %arg7[%swap3A_89, %swap3A_90] {strides = array<i32>} : memref<2x128xi32, #tpu.memory_space<vmem>>, vector<1x16xi32>,
      %swap3A_92 = vector.shape_cast %swap3A_91 : vector<1x16xi32> to vector<16xi32>
      %swap3A_93 = vector.shape_cast %shift_right_logical3A_87 : vector<16xi32> to vector<1x16xi32>
      tpu.vector_store %arg7[%swap3A_89, %swap3A_90], %swap3A_93 {strides = array<i32>} : memref<2x128xi32, #tpu.memory_space<vmem>>, vector<1x16xi32>,
      %get3A_94 = arith.index_cast %while3A_31 : i32 to index
      %get3A_95 = arith.constant 48 : index
      %get3A_96 = tpu.vector_load %arg5[%get3A_94, %get3A_95] {strides = array<i32>} : memref<160x128xi32, #tpu.memory_space<vmem>>, vector<1x16xi32>,
      %get3A_97 = vector.shape_cast %get3A_96 : vector<1x16xi32> to vector<16xi32>
      %and3A_98 = arith.constant 16383 : i32
      %and3A_99 = vector.broadcast %and3A_98 : i32 to vector<16xi32>
      %and3A_100 = arith.andi %get3A_97, %and3A_99 : vector<16xi32>
      %swap3A_101 = arith.constant 0 : i32
      %swap3A_102 = arith.index_cast %swap3A_101 : i32 to index
      %swap3A_103 = arith.constant 48 : index
      %swap3A_104 = tpu.vector_load %arg6[%swap3A_102, %swap3A_103] {strides = array<i32>} : memref<2x128xi32, #tpu.memory_space<vmem>>, vector<1x16xi32>,
      %swap3A_105 = vector.shape_cast %swap3A_104 : vector<1x16xi32> to vector<16xi32>
      %swap3A_106 = vector.shape_cast %and3A_100 : vector<16xi32> to vector<1x16xi32>
      tpu.vector_store %arg6[%swap3A_102, %swap3A_103], %swap3A_106 {strides = array<i32>} : memref<2x128xi32, #tpu.memory_space<vmem>>, vector<1x16xi32>,
      %shift_right_logical3A_107 = arith.constant 14 : i32
      %shift_right_logical3A_108 = vector.broadcast %shift_right_logical3A_107 : i32 to vector<16xi32>
      %shift_right_logical3A_109 = arith.shrui %get3A_97, %shift_right_logical3A_108 : vector<16xi32>
      %swap3A_110 = arith.constant 0 : i32
      %swap3A_111 = arith.index_cast %swap3A_110 : i32 to index
      %swap3A_112 = arith.constant 48 : index
      %swap3A_113 = tpu.vector_load %arg7[%swap3A_111, %swap3A_112] {strides = array<i32>} : memref<2x128xi32, #tpu.memory_space<vmem>>, vector<1x16xi32>,
      %swap3A_114 = vector.shape_cast %swap3A_113 : vector<1x16xi32> to vector<16xi32>
      %swap3A_115 = vector.shape_cast %shift_right_logical3A_109 : vector<16xi32> to vector<1x16xi32>
      tpu.vector_store %arg7[%swap3A_111, %swap3A_112], %swap3A_115 {strides = array<i32>} : memref<2x128xi32, #tpu.memory_space<vmem>>, vector<1x16xi32>,
      %get3A_116 = arith.index_cast %while3A_31 : i32 to index
      %get3A_117 = arith.constant 64 : index
      %get3A_118 = tpu.vector_load %arg5[%get3A_116, %get3A_117] {strides = array<i32>} : memref<160x128xi32, #tpu.memory_space<vmem>>, vector<1x16xi32>,
      %get3A_119 = vector.shape_cast %get3A_118 : vector<1x16xi32> to vector<16xi32>
      %and3A_120 = arith.constant 16383 : i32
      %and3A_121 = vector.broadcast %and3A_120 : i32 to vector<16xi32>
      %and3A_122 = arith.andi %get3A_119, %and3A_121 : vector<16xi32>
      %swap3A_123 = arith.constant 0 : i32
      %swap3A_124 = arith.index_cast %swap3A_123 : i32 to index
      %swap3A_125 = arith.constant 64 : index
      %swap3A_126 = tpu.vector_load %arg6[%swap3A_124, %swap3A_125] {strides = array<i32>} : memref<2x128xi32, #tpu.memory_space<vmem>>, vector<1x16xi32>,
      %swap3A_127 = vector.shape_cast %swap3A_126 : vector<1x16xi32> to vector<16xi32>
      %swap3A_128 = vector.shape_cast %and3A_122 : vector<16xi32> to vector<1x16xi32>
      tpu.vector_store %arg6[%swap3A_124, %swap3A_125], %swap3A_128 {strides = array<i32>} : memref<2x128xi32, #tpu.memory_space<vmem>>, vector<1x16xi32>,
      %shift_right_logical3A_129 = arith.constant 14 : i32
      %shift_right_logical3A_130 = vector.broadcast %shift_right_logical3A_129 : i32 to vector<16xi32>
      %shift_right_logical3A_131 = arith.shrui %get3A_119, %shift_right_logical3A_130 : vector<16xi32>
      %swap3A_132 = arith.constant 0 : i32
      %swap3A_133 = arith.index_cast %swap3A_132 : i32 to index
      %swap3A_134 = arith.constant 64 : index
      %swap3A_135 = tpu.vector_load %arg7[%swap3A_133, %swap3A_134] {strides = array<i32>} : memref<2x128xi32, #tpu.memory_space<vmem>>, vector<1x16xi32>,
      %swap3A_136 = vector.shape_cast %swap3A_135 : vector<1x16xi32> to vector<16xi32>
      %swap3A_137 = vector.shape_cast %shift_right_logical3A_131 : vector<16xi32> to vector<1x16xi32>
      tpu.vector_store %arg7[%swap3A_133, %swap3A_134], %swap3A_137 {strides = array<i32>} : memref<2x128xi32, #tpu.memory_space<vmem>>, vector<1x16xi32>,
      %get3A_138 = arith.index_cast %while3A_31 : i32 to index
      %get3A_139 = arith.constant 80 : index
      %get3A_140 = tpu.vector_load %arg5[%get3A_138, %get3A_139] {strides = array<i32>} : memref<160x128xi32, #tpu.memory_space<vmem>>, vector<1x16xi32>,
      %get3A_141 = vector.shape_cast %get3A_140 : vector<1x16xi32> to vector<16xi32>
      %and3A_142 = arith.constant 16383 : i32
      %and3A_143 = vector.broadcast %and3A_142 : i32 to vector<16xi32>
      %and3A_144 = arith.andi %get3A_141, %and3A_143 : vector<16xi32>
      %swap3A_145 = arith.constant 0 : i32
      %swap3A_146 = arith.index_cast %swap3A_145 : i32 to index
      %swap3A_147 = arith.constant 80 : index
      %swap3A_148 = tpu.vector_load %arg6[%swap3A_146, %swap3A_147] {strides = array<i32>} : memref<2x128xi32, #tpu.memory_space<vmem>>, vector<1x16xi32>,
      %swap3A_149 = vector.shape_cast %swap3A_148 : vector<1x16xi32> to vector<16xi32>
      %swap3A_150 = vector.shape_cast %and3A_144 : vector<16xi32> to vector<1x16xi32>
      tpu.vector_store %arg6[%swap3A_146, %swap3A_147], %swap3A_150 {strides = array<i32>} : memref<2x128xi32, #tpu.memory_space<vmem>>, vector<1x16xi32>,
      %shift_right_logical3A_151 = arith.constant 14 : i32
      %shift_right_logical3A_152 = vector.broadcast %shift_right_logical3A_151 : i32 to vector<16xi32>
      %shift_right_logical3A_153 = arith.shrui %get3A_141, %shift_right_logical3A_152 : vector<16xi32>
      %swap3A_154 = arith.constant 0 : i32
      %swap3A_155 = arith.index_cast %swap3A_154 : i32 to index
      %swap3A_156 = arith.constant 80 : index
      %swap3A_157 = tpu.vector_load %arg7[%swap3A_155, %swap3A_156] {strides = array<i32>} : memref<2x128xi32, #tpu.memory_space<vmem>>, vector<1x16xi32>,
      %swap3A_158 = vector.shape_cast %swap3A_157 : vector<1x16xi32> to vector<16xi32>
      %swap3A_159 = vector.shape_cast %shift_right_logical3A_153 : vector<16xi32> to vector<1x16xi32>
      tpu.vector_store %arg7[%swap3A_155, %swap3A_156], %swap3A_159 {strides = array<i32>} : memref<2x128xi32, #tpu.memory_space<vmem>>, vector<1x16xi32>,
      %get3A_160 = arith.index_cast %while3A_31 : i32 to index
      %get3A_161 = arith.constant 96 : index
      %get3A_162 = tpu.vector_load %arg5[%get3A_160, %get3A_161] {strides = array<i32>} : memref<160x128xi32, #tpu.memory_space<vmem>>, vector<1x16xi32>,
      %get3A_163 = vector.shape_cast %get3A_162 : vector<1x16xi32> to vector<16xi32>
      %and3A_164 = arith.constant 16383 : i32
      %and3A_165 = vector.broadcast %and3A_164 : i32 to vector<16xi32>
      %and3A_166 = arith.andi %get3A_163, %and3A_165 : vector<16xi32>
      %swap3A_167 = arith.constant 0 : i32
      %swap3A_168 = arith.index_cast %swap3A_167 : i32 to index
      %swap3A_169 = arith.constant 96 : index
      %swap3A_170 = tpu.vector_load %arg6[%swap3A_168, %swap3A_169] {strides = array<i32>} : memref<2x128xi32, #tpu.memory_space<vmem>>, vector<1x16xi32>,
      %swap3A_171 = vector.shape_cast %swap3A_170 : vector<1x16xi32> to vector<16xi32>
      %swap3A_172 = vector.shape_cast %and3A_166 : vector<16xi32> to vector<1x16xi32>
      tpu.vector_store %arg6[%swap3A_168, %swap3A_169], %swap3A_172 {strides = array<i32>} : memref<2x128xi32, #tpu.memory_space<vmem>>, vector<1x16xi32>,
      %shift_right_logical3A_173 = arith.constant 14 : i32
      %shift_right_logical3A_174 = vector.broadcast %shift_right_logical3A_173 : i32 to vector<16xi32>
      %shift_right_logical3A_175 = arith.shrui %get3A_163, %shift_right_logical3A_174 : vector<16xi32>
      %swap3A_176 = arith.constant 0 : i32
      %swap3A_177 = arith.index_cast %swap3A_176 : i32 to index
      %swap3A_178 = arith.constant 96 : index
      %swap3A_179 = tpu.vector_load %arg7[%swap3A_177, %swap3A_178] {strides = array<i32>} : memref<2x128xi32, #tpu.memory_space<vmem>>, vector<1x16xi32>,
      %swap3A_180 = vector.shape_cast %swap3A_179 : vector<1x16xi32> to vector<16xi32>
      %swap3A_181 = vector.shape_cast %shift_right_logical3A_175 : vector<16xi32> to vector<1x16xi32>
      tpu.vector_store %arg7[%swap3A_177, %swap3A_178], %swap3A_181 {strides = array<i32>} : memref<2x128xi32, #tpu.memory_space<vmem>>, vector<1x16xi32>,
      %get3A_182 = arith.index_cast %while3A_31 : i32 to index
      %get3A_183 = arith.constant 112 : index
      %get3A_184 = tpu.vector_load %arg5[%get3A_182, %get3A_183] {strides = array<i32>} : memref<160x128xi32, #tpu.memory_space<vmem>>, vector<1x16xi32>,
      %get3A_185 = vector.shape_cast %get3A_184 : vector<1x16xi32> to vector<16xi32>
      %and3A_186 = arith.constant 16383 : i32
      %and3A_187 = vector.broadcast %and3A_186 : i32 to vector<16xi32>
      %and3A_188 = arith.andi %get3A_185, %and3A_187 : vector<16xi32>
      %swap3A_189 = arith.constant 0 : i32
      %swap3A_190 = arith.index_cast %swap3A_189 : i32 to index
      %swap3A_191 = arith.constant 112 : index
      %swap3A_192 = tpu.vector_load %arg6[%swap3A_190, %swap3A_191] {strides = array<i32>} : memref<2x128xi32, #tpu.memory_space<vmem>>, vector<1x16xi32>,
      %swap3A_193 = vector.shape_cast %swap3A_192 : vector<1x16xi32> to vector<16xi32>
      %swap3A_194 = vector.shape_cast %and3A_188 : vector<16xi32> to vector<1x16xi32>
      tpu.vector_store %arg6[%swap3A_190, %swap3A_191], %swap3A_194 {strides = array<i32>} : memref<2x128xi32, #tpu.memory_space<vmem>>, vector<1x16xi32>,
      %shift_right_logical3A_195 = arith.constant 14 : i32
      %shift_right_logical3A_196 = vector.broadcast %shift_right_logical3A_195 : i32 to vector<16xi32>
      %shift_right_logical3A_197 = arith.shrui %get3A_185, %shift_right_logical3A_196 : vector<16xi32>
      %swap3A_198 = arith.constant 0 : i32
      %swap3A_199 = arith.index_cast %swap3A_198 : i32 to index
      %swap3A_200 = arith.constant 112 : index
      %swap3A_201 = tpu.vector_load %arg7[%swap3A_199, %swap3A_200] {strides = array<i32>} : memref<2x128xi32, #tpu.memory_space<vmem>>, vector<1x16xi32>,
      %swap3A_202 = vector.shape_cast %swap3A_201 : vector<1x16xi32> to vector<16xi32>
      %swap3A_203 = vector.shape_cast %shift_right_logical3A_197 : vector<16xi32> to vector<1x16xi32>
      tpu.vector_store %arg7[%swap3A_199, %swap3A_200], %swap3A_203 {strides = array<i32>} : memref<2x128xi32, #tpu.memory_space<vmem>>, vector<1x16xi32>,
      %dma_start3A = arith.constant 0 : i32
      %dma_start3A_204 = arith.constant 0 : i32
      %dma_start3A_205 = tpu.memref_slice %arg6[%dma_start3A, %dma_start3A_204] : memref<2x128xi32, #tpu.memory_space<vmem>> -> memref<1x128xi32, #tpu.memory_space<vmem>>
      %dma_start3A_206 = tpu.memref_squeeze %dma_start3A_205 : memref<1x128xi32, #tpu.memory_space<vmem>> -> memref<128xi32, #tpu.memory_space<vmem>>
      %dma_start3A_207 = arith.constant 0 : i32
      %dma_start3A_208 = arith.constant 0 : i32
      %dma_start3A_209 = tpu.memref_slice %arg2[%dma_start3A_207, %dma_start3A_208] : memref<10000x128xf32, #tpu.memory_space<hbm>> -> memref<10000x128xf32, #tpu.memory_space<hbm>>
      tpu.enqueue_indirect_dma source(%dma_start3A_209 : memref<10000x128xf32, #tpu.memory_space<hbm>>) target(%arg8 : memref<128x128xf32, #tpu.memory_space<vmem>>) offsets(%dma_start3A_206 : memref<128xi32, #tpu.memory_space<vmem>>) semaphore(%arg10 : memref<!tpu.dma_semaphore, #tpu.memory_space<semaphore_mem>>)
      %dma_wait3A = arith.constant 0 : i32
      %dma_wait3A_210 = arith.constant 0 : i32
      %dma_wait3A_211 = tpu.memref_slice %arg6[%dma_wait3A, %dma_wait3A_210] : memref<2x128xi32, #tpu.memory_space<vmem>> -> memref<1x128xi32, #tpu.memory_space<vmem>>
      %dma_wait3A_212 = tpu.memref_squeeze %dma_wait3A_211 : memref<1x128xi32, #tpu.memory_space<vmem>> -> memref<128xi32, #tpu.memory_space<vmem>>
      %dma_wait3A_213 = arith.constant 0 : i32
      %dma_wait3A_214 = arith.constant 0 : i32
      %dma_wait3A_215 = tpu.memref_slice %arg2[%dma_wait3A_213, %dma_wait3A_214] : memref<10000x128xf32, #tpu.memory_space<hbm>> -> memref<10000x128xf32, #tpu.memory_space<hbm>>
      tpu.wait_indirect_dma semaphore(%arg10 : memref<!tpu.dma_semaphore, #tpu.memory_space<semaphore_mem>>) src(%dma_wait3A_215 : memref<10000x128xf32, #tpu.memory_space<hbm>>) dst(%arg8 : memref<128x128xf32, #tpu.memory_space<vmem>>)
      %run_scoped3A = arith.constant 0 : i32
      "tpu.region"() ({
        %run_scoped3A_216 = tpu.sem_alloc : memref<!tpu.dma_semaphore, #tpu.memory_space<semaphore_mem>>
        %dma_start3A_217 = arith.constant 0 : i32
        %dma_start3A_218 = tpu.memref_slice %arg7[%run_scoped3A, %dma_start3A_217] : memref<2x128xi32, #tpu.memory_space<vmem>> -> memref<1x128xi32, #tpu.memory_space<vmem>>
        %dma_start3A_219 = tpu.memref_squeeze %dma_start3A_218 : memref<1x128xi32, #tpu.memory_space<vmem>> -> memref<128xi32, #tpu.memory_space<vmem>>
        %dma_start3A_220 = arith.constant 0 : i32
        %dma_start3A_221 = arith.constant 0 : i32
        %dma_start3A_222 = tpu.memref_slice %arg9[%dma_start3A_220, %dma_start3A_221] : memref<10240x128xf32, #tpu.memory_space<vmem_shared>> -> memref<10240x128xf32, #tpu.memory_space<vmem_shared>>
        tpu.enqueue_indirect_dma source(%arg8 : memref<128x128xf32, #tpu.memory_space<vmem>>) target(%dma_start3A_222 : memref<10240x128xf32, #tpu.memory_space<vmem_shared>>) offsets(%dma_start3A_219 : memref<128xi32, #tpu.memory_space<vmem>>) semaphore(%run_scoped3A_216 : memref<!tpu.dma_semaphore, #tpu.memory_space<semaphore_mem>>) {add = true}
        %dma_wait3A_223 = arith.constant 0 : i32
        %dma_wait3A_224 = tpu.memref_slice %arg7[%run_scoped3A, %dma_wait3A_223] : memref<2x128xi32, #tpu.memory_space<vmem>> -> memref<1x128xi32, #tpu.memory_space<vmem>>
        %dma_wait3A_225 = tpu.memref_squeeze %dma_wait3A_224 : memref<1x128xi32, #tpu.memory_space<vmem>> -> memref<128xi32, #tpu.memory_space<vmem>>
        %dma_wait3A_226 = arith.constant 0 : i32
        %dma_wait3A_227 = arith.constant 0 : i32
        %dma_wait3A_228 = tpu.memref_slice %arg9[%dma_wait3A_226, %dma_wait3A_227] : memref<10240x128xf32, #tpu.memory_space<vmem_shared>> -> memref<10240x128xf32, #tpu.memory_space<vmem_shared>>
        tpu.wait_indirect_dma semaphore(%run_scoped3A_216 : memref<!tpu.dma_semaphore, #tpu.memory_space<semaphore_mem>>) src(%arg8 : memref<128x128xf32, #tpu.memory_space<vmem>>) dst(%dma_wait3A_228 : memref<10240x128xf32, #tpu.memory_space<vmem_shared>>)
        tpu.yield
      }) : () -> ()
    }
    %barrier3A_30 = arith.constant 0 : index
    tpu.barrier barrier_id(%barrier3A_30)
    "tpu.region"() ({
      %run_scoped3A = tpu.sem_alloc : memref<!tpu.dma_semaphore, #tpu.memory_space<semaphore_mem>>
      %dma_start3A = arith.constant 0 : i32
      %dma_start3A_31 = tpu.memref_slice %arg4[%arg0, %mul3A_6, %dma_start3A] : memref<2x10240x128xf32, #tpu.memory_space<hbm>> -> memref<1x640x128xf32, #tpu.memory_space<hbm>>
      %dma_start3A_32 = tpu.memref_squeeze %dma_start3A_31 : memref<1x640x128xf32, #tpu.memory_space<hbm>> -> memref<640x128xf32, #tpu.memory_space<hbm>>
      %dma_start3A_33 = arith.constant 0 : i32
      %dma_start3A_34 = tpu.memref_slice %arg9[%mul3A_6, %dma_start3A_33] : memref<10240x128xf32, #tpu.memory_space<vmem_shared>> -> memref<640x128xf32, #tpu.memory_space<vmem_shared>>
      tpu.enqueue_dma source(%dma_start3A_34 : memref<640x128xf32, #tpu.memory_space<vmem_shared>>) target(%dma_start3A_32 : memref<640x128xf32, #tpu.memory_space<hbm>>) target_semaphore(%run_scoped3A : memref<!tpu.dma_semaphore, #tpu.memory_space<semaphore_mem>>)
      %dma_wait3A = arith.constant 0 : i32
      %dma_wait3A_35 = tpu.memref_slice %arg4[%arg0, %mul3A_6, %dma_wait3A] : memref<2x10240x128xf32, #tpu.memory_space<hbm>> -> memref<1x640x128xf32, #tpu.memory_space<hbm>>
      %dma_wait3A_36 = tpu.memref_squeeze %dma_wait3A_35 : memref<1x640x128xf32, #tpu.memory_space<hbm>> -> memref<640x128xf32, #tpu.memory_space<hbm>>
      %dma_wait3A_37 = arith.constant 0 : i32
      %dma_wait3A_38 = tpu.memref_slice %arg9[%mul3A_6, %dma_wait3A_37] : memref<10240x128xf32, #tpu.memory_space<vmem_shared>> -> memref<640x128xf32, #tpu.memory_space<vmem_shared>>
      tpu.wait_dma2 semaphore(%run_scoped3A : memref<!tpu.dma_semaphore, #tpu.memory_space<semaphore_mem>>) src(%dma_wait3A_38 : memref<640x128xf32, #tpu.memory_space<vmem_shared>>) dst(%dma_wait3A_36 : memref<640x128xf32, #tpu.memory_space<hbm>>)
      tpu.yield
    }) : () -> ()
    return
  }
}

module attributes {stable_mosaic.version = 14 : i64} {
  func.func @_matmul_body(%arg0: i32, %arg1: memref<1000x128xf32, #tpu.memory_space<vmem>>, %arg2: memref<128x128xf32, #tpu.memory_space<vmem>>, %arg3: memref<1000x128xf32, #tpu.memory_space<vmem>>) attributes {dimension_semantics = [#tpu.dimension_semantics<arbitrary>], iteration_bounds = array<i64: 10>, scalar_prefetch = 0 : i64, scratch_operands = 0 : i64, tpu.core_type = #tpu.core_type<tc>, window_params = [{transform_indices = @transform_0, window_bounds = array<i64: 1000, 128>}, {pipeline_mode = #tpu.pipeline_mode<synchronous>, transform_indices = @transform_1, window_bounds = array<i64: 128, 128>}, {transform_indices = @transform_2, window_bounds = array<i64: 1000, 128>}]} {
    %get3A = arith.constant 0 : index
    %get3A_0 = arith.constant 0 : index
    %get3A_1 = vector.load %arg1[%get3A, %get3A_0] : memref<1000x128xf32, #tpu.memory_space<vmem>>, vector<1000x128xf32>
    %get3A_2 = arith.constant 0 : index
    %get3A_3 = arith.constant 0 : index
    %get3A_4 = vector.load %arg2[%get3A_2, %get3A_3] : memref<128x128xf32, #tpu.memory_space<vmem>>, vector<128x128xf32>
    %dot_general3A = arith.constant dense<0.000000e+00> : vector<1000x128xf32>
    %dot_general3A_5 = tpu.matmul %get3A_1, %get3A_4, %dot_general3A {dimension_numbers = #tpu.dot_dimension_numbers<[1], [0], [0], [1], [0, 0, 1, 1], [], []>, transpose_lhs_hint = false} : vector<1000x128xf32>, vector<128x128xf32>, vector<1000x128xf32> -> vector<1000x128xf32>
    %swap3A = arith.constant 0 : index
    %swap3A_6 = arith.constant 0 : index
    %swap3A_7 = vector.load %arg3[%swap3A, %swap3A_6] : memref<1000x128xf32, #tpu.memory_space<vmem>>, vector<1000x128xf32>
    tpu.vector_store %arg3[%swap3A, %swap3A_6], %dot_general3A_5 {strides = array<i32>} : memref<1000x128xf32, #tpu.memory_space<vmem>>, vector<1000x128xf32>,
    return
  }
  func.func @transform_0(%arg0: i32) -> (i32, i32) {
    %c0_i32 = arith.constant 0 : i32
    %c0_i32_0 = arith.constant 0 : i32
    return %arg0, %c0_i32 : i32, i32
  }
  func.func @transform_1(%arg0: i32) -> (i32, i32) {
    %c0_i32 = arith.constant 0 : i32
    %c0_i32_0 = arith.constant 0 : i32
    %c0_i32_1 = arith.constant 0 : i32
    return %c0_i32, %c0_i32_0 : i32, i32
  }
  func.func @transform_2(%arg0: i32) -> (i32, i32) {
    %c0_i32 = arith.constant 0 : i32
    %c0_i32_0 = arith.constant 0 : i32
    return %arg0, %c0_i32 : i32, i32
  }
}

module attributes {stable_mosaic.version = 14 : i64} {
  func.func @_combine_body(%arg0: i32, %arg1: memref<1000x128xf32, #tpu.memory_space<vmem>>, %arg2: memref<1000x128xf32, #tpu.memory_space<vmem>>, %arg3: memref<1x128xf32, #tpu.memory_space<vmem>>, %arg4: memref<1000x128xf32, #tpu.memory_space<vmem>>) attributes {dimension_semantics = [#tpu.dimension_semantics<arbitrary>], iteration_bounds = array<i64: 10>, scalar_prefetch = 0 : i64, scratch_operands = 0 : i64, tpu.core_type = #tpu.core_type<tc>, window_params = [{transform_indices = @transform_0, window_bounds = array<i64: 1000, 128>}, {transform_indices = @transform_1, window_bounds = array<i64: 1000, 128>}, {pipeline_mode = #tpu.pipeline_mode<synchronous>, transform_indices = @transform_2, window_bounds = array<i64: 1, 128>}, {transform_indices = @transform_3, window_bounds = array<i64: 1000, 128>}]} {
    %get3A = arith.constant 0 : index
    %get3A_0 = arith.constant 0 : index
    %get3A_1 = vector.load %arg1[%get3A, %get3A_0] : memref<1000x128xf32, #tpu.memory_space<vmem>>, vector<1000x128xf32>
    %get3A_2 = arith.constant 0 : index
    %get3A_3 = arith.constant 0 : index
    %get3A_4 = vector.load %arg2[%get3A_2, %get3A_3] : memref<1000x128xf32, #tpu.memory_space<vmem>>, vector<1000x128xf32>
    %add3A = arith.addf %get3A_1, %get3A_4 : vector<1000x128xf32>
    %get3A_5 = arith.constant 0 : index
    %get3A_6 = arith.constant 0 : index
    %get3A_7 = vector.load %arg3[%get3A_5, %get3A_6] : memref<1x128xf32, #tpu.memory_space<vmem>>, vector<1x128xf32>
    %add3A_8 = vector.broadcast %get3A_7 : vector<1x128xf32> to vector<1000x128xf32>
    %add3A_9 = arith.addf %add3A, %add3A_8 : vector<1000x128xf32>
    %swap3A = arith.constant 0 : index
    %swap3A_10 = arith.constant 0 : index
    %swap3A_11 = vector.load %arg4[%swap3A, %swap3A_10] : memref<1000x128xf32, #tpu.memory_space<vmem>>, vector<1000x128xf32>
    tpu.vector_store %arg4[%swap3A, %swap3A_10], %add3A_9 {strides = array<i32>} : memref<1000x128xf32, #tpu.memory_space<vmem>>, vector<1000x128xf32>,
    return
  }
  func.func @transform_0(%arg0: i32) -> (i32, i32) {
    %c0_i32 = arith.constant 0 : i32
    %c0_i32_0 = arith.constant 0 : i32
    return %arg0, %c0_i32 : i32, i32
  }
  func.func @transform_1(%arg0: i32) -> (i32, i32) {
    %c0_i32 = arith.constant 0 : i32
    %c0_i32_0 = arith.constant 0 : i32
    return %arg0, %c0_i32 : i32, i32
  }
  func.func @transform_2(%arg0: i32) -> (i32, i32) {
    %c0_i32 = arith.constant 0 : i32
    %c0_i32_0 = arith.constant 0 : i32
    %c0_i32_1 = arith.constant 0 : i32
    return %c0_i32, %c0_i32_0 : i32, i32
  }
  func.func @transform_3(%arg0: i32) -> (i32, i32) {
    %c0_i32 = arith.constant 0 : i32
    %c0_i32_0 = arith.constant 0 : i32
    return %arg0, %c0_i32 : i32, i32
  }
}

</mosaic_0001>

<sc_bundles>
// kernel: kernel.5.cloned.1.call-start
scs
__scs_entry_jumppad:
0x0: {  	(pc) =	sbr.rel $0x88, $3  }
0x1: {  	(tag) =	ssettag $0x0;
	lr =	simm.s32 $0x1  }
0x2: {  	[smem:$0x3F9D] =	sst lr;
	_ =	strace $0xD0000000  }
0x3: {  	_ = 	snop  }
0x4: {  	_ = 	snop  }
0x5: {  	_ = 	snop  }
0x6: {  	_ = 	snop  }
0x7: {  	_ = 	snop  }
__scs_overlays_trampoline_lowered:
0x8: {  	[smem:$0x3FAC] =	sst s0  }
0x9: {  	[smem:$0x3FAD] =	sst s1  }
0xa: {  	[smem:$0x3FAE] =	sst s2  }
0xb: {  	[smem:$0x3FAF] =	sst s3  }
0xc: {  	[smem:$0x3FB0] =	sst s4  }
0xd: {  	[smem:$0x3FB1] =	sst s5  }
0xe: {  	[smem:$0x3FB2] =	sst s6  }
0xf: {  	[smem:$0x3FB3] =	sst s7  }
0x10: {  	[smem:$0x3FB4] =	sst s8  }
0x11: {  	[smem:$0x3FB5] =	sst s9;
	s0 =	simm.s32 @!p0 $0x0  }
0x12: {  	s1 =	sld [smem:$0x3F9B];
	s0 =	simm.s32 @p0 $0x1  }
0x13: {  	[smem:$0x3FB6] =	sst s0;
	s0 =	simm.s32 @!p1 $0x0  }
0x14: {  	s2 =	sld [smem:$0x3F9A];
	s0 =	simm.s32 @p1 $0x1  }
0x15: {  	[smem:$0x3FB7] =	sst s0;
	s0 =	simm.s32 @!p2 $0x0  }
0x16: {  	s3 =	sld [smem:$0x3FDB];
	s0 =	simm.s32 @p2 $0x1  }
0x17: {  	s4 =	simm.s32 $0x1BF5;
	[smem:$0x3FB9] =	sst s0  }
0x18: {  	s0 =	sld [smem:$0x3F9C];
	_ =	swait.ge [sflag:s4], $0x0  }
0x19: {  	s7 =	sld [smem:$0x3F9D]  }
0x1a: {  	s8 =	sadd.s32 $0xFFFFE003, lr  }
0x1b: {  	s9 =	sadd.s32 $0xFFFFFEF7, lr;
	s5 =	simm.s32 $0xFFFFFFFF;
	p2 =	slt.u32 s8, $0xFFFFF086  }
0x1c: {  	p1 =	slt.u32 s9, $0xF7A;
	s5 =	simm.s32 @!p2 $0x0  }
0x1d: {  	s5 =	simm.s32 @p1 $0x1;
	p0 =	seq.s32 s7, s2  }
0x1e: {  	s7 =	smul.u32 @!p0 $0xF7A, s2;
	p2 =	seq.s32 @!p0 s5, $0x0  }
0x1f: {  	s9 =	smul.u32 $0xF7A, s1;
	s8 =	simm.s32 @!p0 $0x1BF5;
	p2 =	por !p2, p0  }
0x20: {  	[sflag:s8] =	ssyncset.s32 @!p0 $0xFFFFF086;
	s6 =	sadd.s32 @!p0 s3, s7;
	s7 =	simm.s32 @!p0 $0x108  }
0x21: {  	s3 =	sadd.s32 s3, s9;
	s6 =	sadd.s32 @!p0 $0x88, s6;
	s7 =	simm.s32 @p2 $0x1082  }
0x22: {  	[simem:s7], [sflag:s8] =	dma.local @!p0 [hbm:s6], $0xF7A  }
0x23: {  	s9 =	sor.u32 $0xD0000000, s2;
	s6 =	simm.s32 $0x108;
	_ =	swait.ge @!p0 [sflag:s8], $0x0  }
0x24: {  	s3 =	sadd.s32 $0x88, s3;
	s6 =	simm.s32 @!p1 $0x1082;
	[sflag:s4] =	ssyncset.s32 $0xFFFFF086  }
0x25: {  	[simem:s6], [sflag:s4] =	dma.local [hbm:s3], $0xF7A  }
0x26: {  	[smem:$0x3F9D] =	sst s1;
	(tag) =	ssettag s2;
	_ =	strace s9  }
0x27: {  	s1 =	sld [smem:$0x3FAD]  }
0x28: {  	s2 =	sld [smem:$0x3FAE]  }
0x29: {  	s4 =	sld [smem:$0x3FB0]  }
0x2a: {  	p0 =	seq.s32 s5, $0x0;
	s5 =	sld [smem:$0x3FB1]  }
0x2b: {  	s6 =	sld [smem:$0x3FB2]  }
0x2c: {  	s7 =	sld [smem:$0x3FB3]  }
0x2d: {  	s3 =	simm.s32 $0x108;
	s8 =	sld [smem:$0x3FB4]  }
0x2e: {  	s3 =	simm.s32 @!p0 $0x1082;
	s9 =	sld [smem:$0x3FB5]  }
0x2f: {  	lr =	sadd.s32 s0, s3;
	s0 =	sld [smem:$0x3FAC]  }
0x30: {  	s3 =	sld [smem:$0x3FAF]  }
0x31: {  	[smem:$0x3FB8] =	sst s10  }
0x32: {  	s10 =	sld [smem:$0x3FB6];
	_ =	sdelay $0x3  }
0x33: {  	p0 =	seq.s32 s10, $0x1;
	s10 =	sld [smem:$0x3FB8];
	_ =	sdelay $0x3  }
0x34: {  	[smem:$0x3FB8] =	sst s10  }
0x35: {  	s10 =	sld [smem:$0x3FB7];
	_ =	sdelay $0x3  }
0x36: {  	p1 =	seq.s32 s10, $0x1;
	s10 =	sld [smem:$0x3FB8];
	_ =	sdelay $0x3  }
0x37: {  	[smem:$0x3FB8] =	sst s10  }
0x38: {  	s10 =	sld [smem:$0x3FB9]  }
0x39: {  	_ = 	snop;
	(pc) =	sbr.ind lr, $3  }
0x3a: {  	_ = 	snop  }
0x3b: {  	_ = 	snop  }
0x3c: {  	p2 =	seq.s32 s10, $0x1;
	s10 =	sld [smem:$0x3FB8]  }
0x3d: {  	_ =	shalt  }
0x3e: {  	_ =	shalt  }
0x3f: {  	_ =	shalt  }
0x40: {  	_ =	shalt  }
0x41: {  	_ =	shalt  }
0x42: {  	_ =	shalt  }
0x43: {  	_ =	shalt  }
0x44: {  	_ =	shalt  }
0x45: {  	_ =	shalt  }
0x46: {  	_ =	shalt  }
0x47: {  	_ =	shalt  }
0x48: {  	_ =	shalt  }
0x49: {  	_ =	shalt  }
0x4a: {  	_ =	shalt  }
0x4b: {  	_ =	shalt  }
0x4c: {  	_ =	shalt  }
0x4d: {  	_ =	shalt  }
0x4e: {  	_ =	shalt  }
0x4f: {  	_ =	shalt  }
0x50: {  	_ =	shalt  }
0x51: {  	_ =	shalt  }
0x52: {  	_ =	shalt  }
0x53: {  	_ =	shalt  }
0x54: {  	_ =	shalt  }
0x55: {  	_ =	shalt  }
0x56: {  	_ =	shalt  }
0x57: {  	_ =	shalt  }
0x58: {  	_ =	shalt  }
0x59: {  	_ =	shalt  }
0x5a: {  	_ =	shalt  }
0x5b: {  	_ =	shalt  }
0x5c: {  	_ =	shalt  }
0x5d: {  	_ =	shalt  }
0x5e: {  	_ =	shalt  }
0x5f: {  	_ =	shalt  }
0x60: {  	_ =	shalt  }
0x61: {  	_ =	shalt  }
0x62: {  	_ =	shalt  }
0x63: {  	_ =	shalt  }
0x64: {  	_ =	shalt  }
0x65: {  	_ =	shalt  }
0x66: {  	_ =	shalt  }
0x67: {  	_ =	shalt  }
0x68: {  	_ =	shalt  }
0x69: {  	_ =	shalt  }
0x6a: {  	_ =	shalt  }
0x6b: {  	_ =	shalt  }
0x6c: {  	_ =	shalt  }
0x6d: {  	_ =	shalt  }
0x6e: {  	_ =	shalt  }
0x6f: {  	_ =	shalt  }
0x70: {  	_ =	shalt  }
0x71: {  	_ =	shalt  }
0x72: {  	_ =	shalt  }
0x73: {  	_ =	shalt  }
0x74: {  	_ =	shalt  }
0x75: {  	_ =	shalt  }
0x76: {  	_ =	shalt  }
0x77: {  	_ =	shalt  }
0x78: {  	_ =	shalt  }
0x79: {  	_ =	shalt  }
0x7a: {  	_ =	shalt  }
0x7b: {  	_ =	shalt  }
0x7c: {  	_ =	shalt  }
0x7d: {  	_ =	shalt  }
0x7e: {  	_ =	shalt  }
0x7f: {  	_ =	shalt  }
0x80: {  	_ =	shalt  }
0x81: {  	_ =	shalt  }
0x82: {  	_ =	shalt  }
0x83: {  	_ =	shalt  }
0x84: {  	_ =	shalt  }
0x85: {  	_ =	shalt  }
0x86: {  	_ =	shalt  }
0x87: {  	_ =	shalt  }
.Lfunc_end0:
.L_simem_size_0:
called_computation_lowered:
.L_overlay_start_0:
0x88: {  	s2 =	sld [smem:$0x3FD9]  }
0x89: {  	s3 =	sld [smem:$0x3FFE];
	_ =	sdelay $0x1  }
0x8a: {  	s1 =	srdreg.scid  }
0x8b: {  	s0 =	sand.u32 $0x1, s1  }
0x8c: {  	s17 =	sshll.u32 s0, $0xA;
	s2 =	sadd.s32 s3, s2  }
0x8d: {  	s2 =	sadd.s32 s2, s17  }
0x8e: {  	[smem:$0x3FC4] =	sst s2  }
0x8f: {  	_ = 	snop  }
0x90: {  	s2 =	sld [smem:$0x3FD0];
	(tm) =	ssettm $0x1  }
0x91: {  	s18 =	sld [smem:$0x3FFB];
	_ =	sdelay $0x3  }
0x92: {  	_ =	strace s18  }
0x93: {  	s3 =	sld [smem:$0x3FFC];
	_ =	sdelay $0x3  }
0x94: {  	_ =	strace s3  }
0x95: {  	s3 =	sld [smem:$0x3FFD];
	_ =	sdelay $0x3  }
0x96: {  	_ =	strace s3  }
0x97: {  	_ =	strace $0x8FFFFFFF  }
0x98: {  	s19 =	sld [smem:$0x3FDB];
	_ =	sdelay $0x1  }
0x99: {  	s4 =	simm.s32 $_scs_section_size  }
0x9a: {  	s5 =	simm.s32 $_size__tile_overlayer_lowered;
	s6 =	simm.s32 $_tile_overlayer_lowered  }
0x9b: {  	s22 =	simm.s32 $0x1BFF;
	s21 =	sshll.u32 s6, $0x1;
	s3 =	sadd.s32 s4, s19  }
0x9c: {  	s7 =	simm.s32 $0x0;
	s20 =	sshll.u32 s5, $0x1;
	s5 =	sadd.s32 s21, s3  }
0x9d: {  	[timem:s7], [sflag:s22] =	dma.local [hbm:s5], s20  }
0x9e: {  	_ =	swait.ge [sflag:s22], s20  }
0x9f: {  	s4 =	ssub.s32 $0x0, s20;
	[sflag:s22] =	ssyncset.done $0x0  }
0xa0: {  	[sflag:s22] =	ssyncadd.s32 s4;
	_ =	sdelay $0x1  }
0xa1: {  	s23 =	simm.s32 $0x1B8B  }
0xa2: {  	_ =	swait.ge [sflag:s23], $0x1  }
0xa3: {  	[sflag:s23] =	ssyncset.done $0x0  }
0xa4: {  	s25 =	simm.s32 $0x1B8E;
	s24 =	sld [smem:$0x3FFE];
	[sflag:s23] =	ssyncadd.s32 $0xFFFFFFFF  }
0xa5: {  	s26 =	simm.s32 $execute0_lowered;
	[smem:$0x3FD2] =	sst s25  }
0xa6: {  	s5 =	sshll.u32 s26, $0x1;
	_ =	strace $0x80000046;
	[dreg:$0x1] =	wrdreg $0xFFFFFFFF  }
0xa7: {  	s28 =	simm.s32 $_size_execute0_lowered;
	s3 =	sadd.s32 s3, s5;
	[dreg:$0x0] =	wrdreg $0x0  }
0xa8: {  	s5 =	sshll.u32 s28, $0x1;
	[dreg:$0x2] =	wrdreg s3  }
0xa9: {  	[dreg:$0x3] =	wrdreg s5  }
0xaa: {  	[dreg:$0x4] =	wrdreg $0xC0  }
0xab: {  	_ =	task [dreg:s7], $0x5FFFF  }
0xac: {  	[dreg:$0x1] =	wrdreg $0xFFFFFFFF  }
0xad: {  	[dreg:$0x0] =	wrdreg $0x60  }
0xae: {  	[dreg:$0x2] =	wrdreg s2  }
0xaf: {  	[dreg:$0x3] =	wrdreg s24  }
0xb0: {  	[dreg:$0x4] =	wrdreg $0x92000  }
0xb1: {  	[dreg:$0x5] =	wrdreg $0x9  }
0xb2: {  	_ =	task.clear_ibuf [dreg:s7], $0x6FFFF;
	_ =	strace $0x90000046  }
0xb3: {  	s29 =	simm.s32 $0x9;
	_ =	strace $0x80000048  }
0xb4: {  	_ =	swait.ge [sflag:s29], $0x1  }
0xb5: {  	[sflag:s29] =	ssyncadd.s32 $0xFFFFFFFF  }
0xb6: {  	_ =	strace $0x90000048  }
0xb7: {  	_ =	sfence  }
0xb8: {  	s30 =	sld [smem:$0x0];
	_ =	sdelay $0x2  }
0xb9: {  	s31 =	sshll.u32 s1, $0xD;
	s1 =	sshrl.u32 s1, $0x2  }
0xba: {  	s3 =	sand.u32 $0x4000, s31;
	s1 =	sadd.s32 s1, s30  }
0xbb: {  	s0 =	sor.u32 s3, s0;
	s1 =	sshll.u32 s1, $0x11  }
0xbc: {  	s0 =	sor.u32 s1, s0  }
0xbd: {  	s0 =	sadd.s32 $0x8F2B, s0  }
0xbe: {  	[sflag:s0] =	ssyncadd.remote.s32 $0x1  }
0xbf: {  	_ =	sfence.sel $0xFFFF  }
0xc0: {  	[dreg:$0x0] =	wrdreg $0xFFFFFFFF;
	(pc) =	sbr.abs _section_cstart, $3  }
0xc1: {  	[dreg:$0x1] =	wrdreg $0xFFFFFFFF  }
0xc2: {  	_ =	task.clear_ibuf [dreg:s7], $0x2FFFF;
	_ =	strace $0x9FFFFFFF  }
0xc3: {  	(tm) =	ssettm $0x7FFFFFFF  }
tec
execute0_lowered:
.L_overlay_start_1:
0x0: {  	(tag) =	ssettag $0x1  }
0x1: {  	s2 =	rddreg [dreg:$0x0]  }
0x2: {  	s0 =	srdreg.scid;
	s5 =	rddreg [dreg:$0x1]  }
0x3: {  	s3 =	rddreg [dreg:$0x2];
	s4 =	simm.s32 $0x0;
	s14 =	simm.s32 $0x5200  }
0x4: {  	s15 =	simm.s32 $0x2;
	s16 =	simm.s32 $0x80;
	s17 =	simm.s32 $0x5000  }
0x5: {  	s18 =	simm.s32 $0x1;
	s19 =	simm.s32 $0x5100;
	s9 =	sand.u32 $0x1, s0  }
0x6: {  	s22 =	simm.s32 $0x0;
	s0 =	stileid.u32;
	s7 =	smul.u32 $0x140000, s9  }
0x7: {  	[smem:$0x7FF] =	sst s4;
	s1 =	sshll.u32 s9, $0x4;
	s8 =	smul.u32 $0x14000, s0  }
0x8: {  	s10 =	smul.u32 $0x50000, s0;
	s29 =	ssub.s32 $0x2, s9;
	p0 =	seq.s32 s9, $0x0  }
0x9: {  	s9 =	simm.s32 $0x8C;
	s20 =	sshll.u32 s0, $0x6;
	s1 =	sor.u32 s0, s1  }
0xa: {  	s31 =	sshrl.u32 s29, $0x1;
	s9 =	simm.s32 @!p0 $0x14;
	s20 =	sor.u32 $0x1C02, s20  }
0xb: {  	s6 =	smul.u32 $0xA00, s1;
	s1 =	rddreg [dreg:$0x3];
	_ =	strace $0x80000047  }
0xc: {  	s28 =	sadd.s32 s8, s7;
	s30 =	sshrl.u32 s10, $0x2;
	s13 =	ssub.s32 s29, s31  }
0xd: {  	s13 =	smax.u32 s13, $0x1;
	s11 =	sadd.s32 s6, s5;
	s6 =	sshrl.u32 s28, $0x3  }
0xe: {  	s12 =	sadd.s32 s6, s5;
	s5 =	sadd.s32 s30, s3;
	s11 =	sadd.s32 $0xC00, s11  }
0xf: {  	s6 =	sadd.s32 $0x4000, s5;
	s7 =	sadd.s32 $0x8000, s5;
	s8 =	sadd.s32 $0xC000, s5  }
0x10: {  	v0 =	vimm.f32 $0.0e+00;
	s10 =	sadd.s32 $0x10000, s5;
	s12 =	sadd.s32 $0x14C00, s12;
	s21 =	sshrl.u32 s5, $0x3  }
.LBB2_1:
0x11: {  	s23 =	simm.s32 $0x0;
	s24 =	simm.s32 $0x200  }
.LBB2_2:
0x12: {  	p0 =	sne.s32 s24, $0xFE00;
	[tilespmem:s23+$0x5270] =	vst v0  }
0x13: {  	[tilespmem:s23+$0x5200] =	vst v0  }
0x14: {  	[tilespmem:s23+$0x5210] =	vst v0  }
.Ltmp0:
0x15: {  	[tilespmem:s23+$0x5220] =	vst v0;
	(pc) =	sbr.rel @p0 .LBB2_2-.Ltmp0, $4  }
0x16: {  	[tilespmem:s23+$0x5230] =	vst v0  }
0x17: {  	[tilespmem:s23+$0x5240] =	vst v0  }
0x18: {  	[tilespmem:s23+$0x5250] =	vst v0  }
0x19: {  	[tilespmem:s23+$0x5260] =	vst v0;
	s23 =	sshra.s32 s24, $0x2;
	s24 =	sadd.s32 $0x200, s24  }
0x1a: {  	[tilespmem:s23+$0x5270] =	vst v0  }
0x1b: {  	[tilespmem:s23+$0x5200] =	vst v0  }
0x1c: {  	[tilespmem:s23+$0x5210] =	vst v0  }
0x1d: {  	[tilespmem:s23+$0x5220] =	vst v0  }
0x1e: {  	[tilespmem:s23+$0x5230] =	vst v0  }
0x1f: {  	[tilespmem:s23+$0x5240] =	vst v0  }
0x20: {  	[tilespmem:s23+$0x5250] =	vst v0  }
0x21: {  	[tilespmem:s23+$0x5260] =	vst v0  }
0x22: {  	[spmem:s5] =	stream.linear.scatter [tilespmem:s14], [sflag:$0x2], $0x4000, $0x38;
	[tilespmem:$0x1D200] =	vst v63  }
0x23: {  	_ =	swait.ge [sflag:s15], $0x4000  }
0x24: {  	[sflag:s15] =	ssyncset.done $0x0  }
0x25: {  	[sflag:s15] =	ssyncadd.s32 $0xFFFFC000  }
0x26: {  	[spmem:s6] =	stream.linear.scatter [tilespmem:s14], [sflag:$0x2], $0x4000, $0x38;
	[tilespmem:$0x1D200] =	vst v63  }
0x27: {  	_ =	swait.ge [sflag:s15], $0x4000  }
0x28: {  	[sflag:s15] =	ssyncset.done $0x0  }
0x29: {  	[sflag:s15] =	ssyncadd.s32 $0xFFFFC000  }
0x2a: {  	[spmem:s7] =	stream.linear.scatter [tilespmem:s14], [sflag:$0x2], $0x4000, $0x38;
	[tilespmem:$0x1D200] =	vst v63  }
0x2b: {  	_ =	swait.ge [sflag:s15], $0x4000  }
0x2c: {  	[sflag:s15] =	ssyncset.done $0x0  }
0x2d: {  	[sflag:s15] =	ssyncadd.s32 $0xFFFFC000  }
0x2e: {  	[spmem:s8] =	stream.linear.scatter [tilespmem:s14], [sflag:$0x2], $0x4000, $0x38;
	[tilespmem:$0x1D200] =	vst v63  }
0x2f: {  	_ =	swait.ge [sflag:s15], $0x4000  }
0x30: {  	[sflag:s15] =	ssyncset.done $0x0  }
0x31: {  	[sflag:s15] =	ssyncadd.s32 $0xFFFFC000  }
0x32: {  	[spmem:s10] =	stream.linear.scatter [tilespmem:s14], [sflag:$0x2], $0x4000, $0x38;
	[tilespmem:$0x1D200] =	vst v63  }
0x33: {  	_ =	swait.ge [sflag:s15], $0x4000  }
0x34: {  	[sflag:s15] =	ssyncset.done $0x0  }
0x35: {  	[sflag:s15] =	ssyncadd.s32 $0xFFFFC000  }
0x36: {  	[bflag:$0x0] =	sbarrier.arrive $0xFFFF  }
0x37: {  	[tilespmem:s4], [sflag:$0x2] =	stream.linear.gather [hbm4b:s11+s4], $0x5000, $0x38;
	[tilespmem:$0x1D200] =	vst v63  }
0x38: {  	_ =	swait.ge [sflag:s15], $0x5000  }
0x39: {  	[sflag:s15] =	ssyncset.done $0x0  }
0x3a: {  	s23 =	simm.s32 $0x40;
	[sflag:s15] =	ssyncadd.s32 $0xFFFFB000  }
0x3b: {  	v1 =	vld [tilespmem:s23+$0xFFFFFFC0];
	_ =	sdelay $0x4  }
0x3c: {  	v2 =	vand.u32 $0x3FFF, v1  }
0x3d: {  	v1 =	vshrl.u32 v1, $0xE;
	[tilespmem:$0x5000] =	vst v2  }
0x3e: {  	[tilespmem:$0x5100] =	vst v1  }
0x3f: {  	v1 =	vld [tilespmem:s23+$0xFFFFFFD0];
	_ =	sdelay $0x4  }
0x40: {  	v2 =	vand.u32 $0x3FFF, v1  }
0x41: {  	v1 =	vshrl.u32 v1, $0xE;
	[tilespmem:$0x5010] =	vst v2  }
0x42: {  	[tilespmem:$0x5110] =	vst v1  }
0x43: {  	v1 =	vld [tilespmem:s23+$0xFFFFFFE0];
	_ =	sdelay $0x4  }
0x44: {  	v2 =	vand.u32 $0x3FFF, v1  }
0x45: {  	v1 =	vshrl.u32 v1, $0xE;
	[tilespmem:$0x5020] =	vst v2  }
0x46: {  	[tilespmem:$0x5120] =	vst v1  }
0x47: {  	v1 =	vld [tilespmem:s23+$0xFFFFFFF0];
	_ =	sdelay $0x4  }
0x48: {  	v2 =	vand.u32 $0x3FFF, v1  }
0x49: {  	v1 =	vshrl.u32 v1, $0xE;
	[tilespmem:$0x5030] =	vst v2  }
0x4a: {  	[tilespmem:$0x5130] =	vst v1  }
0x4b: {  	v1 =	vld [tilespmem:s23+$0x0];
	_ =	sdelay $0x4  }
0x4c: {  	v2 =	vand.u32 $0x3FFF, v1  }
0x4d: {  	v1 =	vshrl.u32 v1, $0xE;
	[tilespmem:$0x5040] =	vst v2  }
0x4e: {  	[tilespmem:$0x5140] =	vst v1  }
0x4f: {  	v1 =	vld [tilespmem:s23+$0x10];
	_ =	sdelay $0x4  }
0x50: {  	v2 =	vand.u32 $0x3FFF, v1  }
0x51: {  	v1 =	vshrl.u32 v1, $0xE;
	[tilespmem:$0x5050] =	vst v2  }
0x52: {  	[tilespmem:$0x5150] =	vst v1  }
0x53: {  	v1 =	vld [tilespmem:s23+$0x20];
	_ =	sdelay $0x4  }
0x54: {  	v2 =	vand.u32 $0x3FFF, v1  }
0x55: {  	v1 =	vshrl.u32 v1, $0xE;
	[tilespmem:$0x5060] =	vst v2  }
0x56: {  	[tilespmem:$0x5160] =	vst v1  }
0x57: {  	v1 =	vld [tilespmem:s23+$0x30]  }
0x58: {  	p0 =	sne.s32 s9, $0x1  }
.Ltmp1:
0x59: {  	_ = 	snop;
	(pc) =	sbr.rel @!p0 .LBB2_5-.Ltmp1, $3  }
0x5a: {  	_ =	sdelay $0x1  }
0x5b: {  	v2 =	vand.u32 $0x3FFF, v1  }
0x5c: {  	s24 =	sadd.s32 $0xFFFFFFFF, s9;
	v1 =	vshrl.u32 v1, $0xE;
	[tilespmem:$0x5070] =	vst v2  }
.LBB2_4:
0x5d: {  	p0 =	sne.s32 s24, $0x1;
	s24 =	sadd.s32 $0xFFFFFFFF, s24;
	[tilespmem:$0x5170] =	vst v1;
	s23 =	sadd.s32 $0x80, s23  }
0x5e: {  	[tilespmem:s14], [sflag:$0x1] =	stream.indirect.gather [hbm4b:s2+s16], $0x80, s17, s16, $0xb8;
	[tilespmem:$0x1D200] =	vst v63  }
0x5f: {  	_ =	swait.ge [sflag:s18], $0x4000  }
0x60: {  	[sflag:s18] =	ssyncset.done $0x0  }
0x61: {  	[sflag:s18] =	ssyncadd.s32 $0xFFFFC000  }
0x62: {  	[spmem:s3] =	stream.indirect.scatter.add.f32 [tilespmem:s14], [sflag:$0x2], $0x80, s19, s16, $0xb8;
	[tilespmem:$0x1D200] =	vst v63  }
0x63: {  	_ =	swait.ge [sflag:s15], $0x4000  }
0x64: {  	[sflag:s15] =	ssyncset.done $0x0  }
0x65: {  	[sflag:s15] =	ssyncadd.s32 $0xFFFFC000  }
0x66: {  	v1 =	vld [tilespmem:s23+$0xFFFFFFC0];
	_ =	sdelay $0x4  }
0x67: {  	v2 =	vand.u32 $0x3FFF, v1;
	v1 =	vshrl.u32 v1, $0xE  }
0x68: {  	[tilespmem:$0x5000] =	vst v2  }
0x69: {  	[tilespmem:$0x5100] =	vst v1  }
0x6a: {  	v1 =	vld [tilespmem:s23+$0xFFFFFFD0];
	_ =	sdelay $0x4  }
0x6b: {  	v2 =	vand.u32 $0x3FFF, v1;
	v1 =	vshrl.u32 v1, $0xE  }
0x6c: {  	[tilespmem:$0x5010] =	vst v2  }
0x6d: {  	[tilespmem:$0x5110] =	vst v1  }
0x6e: {  	v1 =	vld [tilespmem:s23+$0xFFFFFFE0];
	_ =	sdelay $0x4  }
0x6f: {  	v2 =	vand.u32 $0x3FFF, v1;
	v1 =	vshrl.u32 v1, $0xE  }
0x70: {  	[tilespmem:$0x5020] =	vst v2  }
0x71: {  	[tilespmem:$0x5120] =	vst v1  }
0x72: {  	v1 =	vld [tilespmem:s23+$0xFFFFFFF0];
	_ =	sdelay $0x4  }
0x73: {  	v2 =	vand.u32 $0x3FFF, v1;
	v1 =	vshrl.u32 v1, $0xE  }
0x74: {  	[tilespmem:$0x5030] =	vst v2  }
0x75: {  	[tilespmem:$0x5130] =	vst v1  }
0x76: {  	v1 =	vld [tilespmem:s23+$0x0];
	_ =	sdelay $0x4  }
0x77: {  	v2 =	vand.u32 $0x3FFF, v1;
	v1 =	vshrl.u32 v1, $0xE  }
0x78: {  	[tilespmem:$0x5040] =	vst v2  }
0x79: {  	[tilespmem:$0x5140] =	vst v1  }
0x7a: {  	v1 =	vld [tilespmem:s23+$0x10];
	_ =	sdelay $0x4  }
0x7b: {  	v2 =	vand.u32 $0x3FFF, v1;
	v1 =	vshrl.u32 v1, $0xE  }
0x7c: {  	[tilespmem:$0x5050] =	vst v2  }
0x7d: {  	[tilespmem:$0x5150] =	vst v1  }
0x7e: {  	v1 =	vld [tilespmem:s23+$0x20];
	_ =	sdelay $0x4  }
0x7f: {  	v2 =	vand.u32 $0x3FFF, v1;
	v1 =	vshrl.u32 v1, $0xE  }
0x80: {  	[tilespmem:$0x5060] =	vst v2  }
0x81: {  	[tilespmem:$0x5160] =	vst v1  }
0x82: {  	v1 =	vld [tilespmem:s23+$0x30];
	_ =	sdelay $0x1  }
.Ltmp2:
0x83: {  	(pc) =	sbr.rel @p0 .LBB2_4-.Ltmp2, $3  }
0x84: {  	_ =	sdelay $0x1  }
0x85: {  	v2 =	vand.u32 $0x3FFF, v1;
	v1 =	vshrl.u32 v1, $0xE  }
0x86: {  	[tilespmem:$0x5070] =	vst v2  }
.LBB2_5:
0x87: {  	[tilespmem:$0x5170] =	vst v1  }
0x88: {  	[tilespmem:s14], [sflag:$0x1] =	stream.indirect.gather [hbm4b:s2+s16], $0x80, s17, s16, $0xb8;
	[tilespmem:$0x1D200] =	vst v63  }
0x89: {  	_ =	swait.ge [sflag:s18], $0x4000  }
0x8a: {  	[sflag:s18] =	ssyncset.done $0x0  }
0x8b: {  	[sflag:s18] =	ssyncadd.s32 $0xFFFFC000  }
0x8c: {  	[spmem:s3] =	stream.indirect.scatter.add.f32 [tilespmem:s14], [sflag:$0x2], $0x80, s19, s16, $0xb8;
	[tilespmem:$0x1D200] =	vst v63  }
0x8d: {  	_ =	swait.ge [sflag:s15], $0x4000  }
0x8e: {  	s22 =	sadd.s32 $0x1, s22;
	[sflag:s15] =	ssyncset.done $0x0  }
0x8f: {  	p0 =	sne.s32 s22, s13;
	[sflag:s15] =	ssyncadd.s32 $0xFFFFC000  }
.Ltmp3:
0x90: {  	[bflag:$0x0] =	sbarrier.arrive $0xFFFF;
	(pc) =	sbr.rel @p0 .LBB2_1-.Ltmp3, $4  }
0x91: {  	[hbm:s12], [sflag:s20] =	dma.local [spmem:s21], $0x2800  }
0x92: {  	_ =	swait.ge [sflag:s15], $0x2800  }
0x93: {  	[sflag:s15] =	ssyncset.done $0x0  }
0x94: {  	[sflag:s15] =	ssyncadd.s32 $0xFFFFD800  }
0x95: {  	_ =	sfence.sel $0x180000  }
0x96: {  	[bflag:$0x0] =	sbarrier.arrive $0xFFFF  }
0x97: {  	p0 =	sne.s32 s0, $0x0;
	_ =	strace $0x90000047  }
0x98: {  	s0 =	sadd.s32 @!p0 $0x100000, s1;
	[bflag:$0x2] =	sbarrier.arrive $0xFFFF  }
0x99: {  	[sflag:s0] =	ssyncadd.tile.s32 @!p0 $0x1;
	_ =	shalt  }
.Lfunc_end2:
_tile_overlayer_lowered:
.L_overlay_start_2:
0x9a: {  	(tag) =	ssettag $0x2  }
0x9b: {  	s0 =	rddreg [dreg:$0x0];
	s2 =	stileid.u32  }
0x9c: {  	s1 =	rddreg [dreg:$0x1];
	p0 =	sne.s32 s2, $0x0  }
0x9d: {  	s3 =	rddreg [dreg:$0x2];
	[bflag:$0x3] =	sbarrier.arrive $0xFFFF;
	s2 =	simm.s32 @!p0 $0x1C02  }
0x9e: {  	[timem:s3], [sflag:s2] =	dma.local @!p0 [hbm:s0], s1  }
0x9f: {  	s0 =	simm.s32 @!p0 $0x2  }
0xa0: {  	_ =	swait.ge @!p0 [sflag:s0], s1  }
0xa1: {  	s1 =	ssub.s32 @!p0 $0x0, s1;
	[sflag:s0] =	ssyncset.done @!p0 $0x0  }
0xa2: {  	[sflag:s0] =	ssyncadd.s32 @!p0 s1  }
0xa3: {  	[bflag:$0x3] =	sbarrier.arrive $0xFFFF  }
0xa4: {  	_ =	shalt  }

</sc_bundles>
